<compile_context>
chip_gen: v7x
topology: tpu7x:2x2x1
jax: 0.10.2.dev20260603
libtpu: 0.0.44.dev20260713+nightly
codegen_flags: <defaults>
</compile_context>

<pallas_src>
import functools

import jax
import jax.numpy as jnp
from jax import lax
from jax.experimental import pallas as pl
from jax.experimental.pallas import tpu as pltpu
from jax.experimental.pallas import tpu_sc as plsc

_EMB = 64
_NC = 2
_NS = 16
_NW = _NC * _NS
_G = 128


def _prep_table_pad(table, w1s, bias, blk):
    V = table.shape[0]
    tT = table.T
    blk = min(V, blk)
    grid = ((V + blk - 1) // blk,)

    def body(x, w, b, o):
        y = x[...].T
        y = jnp.dot(y, w[...], preferred_element_type=jnp.float32) + b[...]
        z = jnp.concatenate([y, jnp.zeros((blk, _EMB), jnp.float32)], axis=1)
        o[...] = z.reshape(blk * 2 * _EMB)

    out = pl.pallas_call(
        body,
        grid=grid,
        in_specs=[pl.BlockSpec((_EMB, blk), lambda i: (0, i)),
                  pl.BlockSpec((_EMB, _EMB), lambda i: (0, 0)),
                  pl.BlockSpec((1, _EMB), lambda i: (0, 0))],
        out_specs=pl.BlockSpec((blk * 2 * _EMB,), lambda i: (i,)),
        out_shape=jax.ShapeDtypeStruct((V * 2 * _EMB,), jnp.float32),
    )(tT, w1s, bias)
    return out


def _sc_gather(idx2d, tables, n_tok):
    nt = len(tables)
    ng = n_tok // (_NW * _G)
    tpw = n_tok // _NW

    mesh = plsc.VectorSubcoreMesh(core_axis_name="c", subcore_axis_name="s",
                                  num_cores=_NC, num_subcores=_NS)

    @functools.partial(
        pl.kernel,
        out_type=tuple(jax.ShapeDtypeStruct((n_tok, _EMB), jnp.float32)
                       for _ in range(nt)),
        mesh=mesh,
        scratch_types=[
            pltpu.VMEM((nt, ng, _G), jnp.int32),
            pltpu.VMEM((nt, _G, _EMB), jnp.float32),
            pltpu.VMEM((nt, _G, _EMB), jnp.float32),
            pltpu.SemaphoreType.DMA,
            pltpu.SemaphoreType.DMA,
        ],
        compiler_params=pltpu.CompilerParams(use_tc_tiling_on_sc=False),
    )
    def k(idx_hbm, *rest):
        tabs = rest[:nt]
        outs = rest[nt:2 * nt]
        idx_v, rows_a, rows_b, sem_a, sem_b = rest[2 * nt:]
        wid = lax.axis_index("s") * _NC + lax.axis_index("c")
        tbase = wid * tpw
        for t in range(nt):
            pltpu.sync_copy(idx_hbm.at[t, wid], idx_v.at[t])

        def fire(g, buf, sem):
            return [pltpu.async_copy(tabs[t].at[idx_v.at[t, g]],
                                     buf.at[t], sem)
                    for t in range(nt)]

        fire(0, rows_a, sem_a)

        def pair2(i, carry):
            g0 = i * 2

            cps_b = fire(g0 + 1, rows_b, sem_b)
            for t in range(nt):
                pltpu.make_async_copy(tabs[t].at[idx_v.at[t, g0]],
                                      rows_a.at[t], sem_a).wait()
            for t in range(nt):
                pltpu.sync_copy(rows_a.at[t],
                                outs[t].at[pl.ds(tbase + g0 * _G, _G)])

            @pl.when(i < ng // 2 - 1)
            def _():
                fire(g0 + 2, rows_a, sem_a)

            for cp in cps_b:
                cp.wait()
            for t in range(nt):
                pltpu.sync_copy(rows_b.at[t],
                                outs[t].at[pl.ds(tbase + (g0 + 1) * _G, _G)])
            return carry

        lax.fori_loop(0, ng // 2, pair2, 0)

    return k(idx2d, *tables)


def _sc_gather_sum(idx2d, tables, n_tok):
    nt = len(tables)
    ng = n_tok // (_NW * _G)
    tpw = n_tok // _NW

    mesh = plsc.VectorSubcoreMesh(core_axis_name="c", subcore_axis_name="s",
                                  num_cores=_NC, num_subcores=_NS)

    @functools.partial(
        pl.kernel,
        out_type=jax.ShapeDtypeStruct((n_tok, _EMB), jnp.float32),
        mesh=mesh,
        scratch_types=[
            pltpu.VMEM((nt, ng, _G), jnp.int32),
            pltpu.VMEM((nt, _G, _EMB), jnp.float32),
            pltpu.VMEM((nt, _G, _EMB), jnp.float32),
            pltpu.VMEM((_G, _EMB), jnp.float32),
            pltpu.VMEM((_G, _EMB), jnp.float32),
            pltpu.SemaphoreType.DMA,
            pltpu.SemaphoreType.DMA,
        ],
        compiler_params=pltpu.CompilerParams(use_tc_tiling_on_sc=False),
    )
    def k(idx_hbm, *rest):
        tabs = rest[:nt]
        (out_s, idx_v, rows_a, rows_b, sum_a, sum_b,
         sem_a, sem_b) = rest[nt:]
        wid = lax.axis_index("s") * _NC + lax.axis_index("c")
        tbase = wid * tpw
        for t in range(nt):
            pltpu.sync_copy(idx_hbm.at[t, wid], idx_v.at[t])

        def fire(g, buf, sem):
            return [pltpu.async_copy(tabs[t].at[idx_v.at[t, g]],
                                     buf.at[t], sem)
                    for t in range(nt)]

        def drain(g, buf, sem):
            for t in range(nt):
                pltpu.make_async_copy(tabs[t].at[idx_v.at[t, g]],
                                      buf.at[t], sem).wait()

        def vsum(buf, sbuf):
            def add1(v, carry):
                r = v // 4
                c = pl.multiple_of((v % 4) * 16, 16)
                x = buf[0, r, pl.ds(c, 16)]
                for t in range(1, nt):
                    x = x + buf[t, r, pl.ds(c, 16)]
                sbuf[r, pl.ds(c, 16)] = x
                return carry
            lax.fori_loop(0, _G * 4, add1, 0)

        fire(0, rows_a, sem_a)

        def pair2(i, carry):
            g0 = i * 2
            cps_b = fire(g0 + 1, rows_b, sem_b)
            drain(g0, rows_a, sem_a)
            vsum(rows_a, sum_a)

            @pl.when(i < ng // 2 - 1)
            def _():
                fire(g0 + 2, rows_a, sem_a)

            pltpu.sync_copy(sum_a, out_s.at[pl.ds(tbase + g0 * _G, _G)])
            for cp in cps_b:
                cp.wait()
            vsum(rows_b, sum_b)
            pltpu.sync_copy(sum_b, out_s.at[pl.ds(tbase + (g0 + 1) * _G, _G)])
            return carry

        lax.fori_loop(0, ng // 2, pair2, 0)

    return k(idx2d, *tables)


def _tc_mlp(rows128, W2, b2, gamma, beta, n_half, blk):
    grid = (n_half // blk,)
    nr = len(rows128)

    def half(h, w2, b2r, gm, bt):
        h2 = jnp.dot(h, w2, preferred_element_type=jnp.float32) + b2r
        mu = jnp.mean(h2, axis=-1, keepdims=True)
        var = jnp.mean((h2 - mu) ** 2, axis=-1, keepdims=True)
        return (h2 - mu) / jnp.sqrt(var + 1e-3) * gm + bt

    def body(*refs):
        xs = refs[:nr]
        w2, b2r, gm, bt, o = refs[nr:]
        s = xs[0][...]
        for x in xs[1:]:
            s = s + x[...]
        h = jnp.maximum(s, 0.0)
        args = (w2[...], b2r[...], gm[...], bt[...])
        re = half(h[:, 0:64], *args)
        ro = half(h[:, 64:128], *args)
        o[...] = jnp.stack([re, ro], axis=1).reshape(2 * blk, _EMB)

    tok_spec = pl.BlockSpec((blk, 2 * _EMB), lambda i: (i, 0))
    out_spec = pl.BlockSpec((2 * blk, _EMB), lambda i: (i, 0))
    full = lambda shape: pl.BlockSpec(shape, lambda i: tuple(0 for _ in shape))
    return pl.pallas_call(
        body,
        grid=grid,
        in_specs=[tok_spec] * nr + [
            full((_EMB, _EMB)), full((1, _EMB)),
            full((1, _EMB)), full((1, _EMB)),
        ],
        out_specs=out_spec,
        out_shape=jax.ShapeDtypeStruct((2 * n_half, _EMB), jnp.float32),
    )(*rows128, W2, b2.reshape(1, _EMB),
      gamma.reshape(1, _EMB), beta.reshape(1, _EMB))


def kernel(video_ids, categories, tags, durations, timestamps,
           video_table, category_table, tag_table, duration_table, time_table,
           W1, b1, W2, b2, gamma, beta):
    B, L = video_ids.shape
    n_tok = B * L
    ng = n_tok // (_NW * _G)
    dur_buckets = (durations / 300.0 * 100.0).astype(jnp.int32)
    time_buckets = (timestamps % 168).astype(jnp.int32)
    zb = jnp.zeros((1, _EMB), jnp.float32)
    cat1 = _prep_table_pad(category_table, W1[64:128], b1.reshape(1, _EMB),
                           2048)
    tag1 = _prep_table_pad(tag_table, W1[128:192], zb, 4096)
    dur1 = _prep_table_pad(duration_table, W1[192:256], zb, 2048)
    tim1 = _prep_table_pad(time_table, W1[256:320], zb, 2048)
    idx_small = (jnp.stack([
        categories.reshape(-1).astype(jnp.int32),
        tags.reshape(-1).astype(jnp.int32),
        dur_buckets.reshape(-1),
        time_buckets.reshape(-1),
    ]) * 2).reshape(4, _NW, ng, _G)
    vt_b, cat1, tag1, dur1, tim1 = jax.lax.optimization_barrier(
        (video_table, cat1, tag1, dur1, tim1))
    s_rows = _sc_gather_sum(
        idx_small,
        [a.reshape(a.shape[0] // _EMB, _EMB)
         for a in (cat1, tag1, dur1, tim1)], n_tok)
    vid1 = _prep_table_pad(vt_b, W1[0:64], zb, 16384)
    idx_video = (video_ids.reshape(-1).astype(jnp.int32)
                 * 2).reshape(1, _NW, ng, _G)
    (v_rows,) = _sc_gather(
        idx_video, [vid1.reshape(vid1.shape[0] // _EMB, _EMB)], n_tok)

    rows128 = [r.reshape(n_tok // 2, 2 * _EMB) for r in (v_rows, s_rows)]
    out = _tc_mlp(rows128, W2, b2, gamma, beta, n_tok // 2, blk=4096)
    return out.reshape(B, L, _EMB)

# --- scband reference (transcript-rebuilt; emitter-appended) ---
"""Pipeline reference for scband-embedding-module-8461085573249 (READ-ONLY COPY).

The authoritative reference and input builder live on the scoring server;
editing this copy changes nothing except your own understanding.
"""

import jax, jax.numpy as jnp
import numpy as np

VIDEO_VOCAB = 1000000
CAT_VOCAB = 1000
TAG_VOCAB = 100000
DUR_BUCKETS = 100
TIME_BUCKETS = 168
EMB = 64
MAX_DUR = 300.0
B, L = 1024, 200


def setup_inputs(seed: int = 0) -> dict:
    key = jax.random.key(seed)
    ks = jax.random.split(key, 16)
    inp = {}
    inp['video_ids'] = jax.random.randint(ks[0], (B, L), 0, VIDEO_VOCAB)
    inp['categories'] = jax.random.randint(ks[1], (B, L), 0, CAT_VOCAB)
    inp['tags'] = jax.random.randint(ks[2], (B, L), 0, TAG_VOCAB)
    inp['durations'] = jax.random.randint(ks[3], (B, L), 0, 300).astype(jnp.float32)
    inp['timestamps'] = jax.random.randint(ks[4], (B, L), 0, 1000000)
    # learned parameters
    inp['video_table'] = jax.random.normal(ks[5], (VIDEO_VOCAB, EMB), dtype=jnp.float32) * 0.02
    inp['category_table'] = jax.random.normal(ks[6], (CAT_VOCAB, EMB), dtype=jnp.float32) * 0.02
    inp['tag_table'] = jax.random.normal(ks[7], (TAG_VOCAB, EMB), dtype=jnp.float32) * 0.02
    inp['duration_table'] = jax.random.normal(ks[8], (DUR_BUCKETS, EMB), dtype=jnp.float32) * 0.02
    inp['time_table'] = jax.random.normal(ks[9], (TIME_BUCKETS, EMB), dtype=jnp.float32) * 0.02
    inp['W1'] = jax.random.normal(ks[10], (5 * EMB, EMB), dtype=jnp.float32) * 0.05
    inp['b1'] = jnp.zeros((EMB,), dtype=jnp.float32)
    inp['W2'] = jax.random.normal(ks[11], (EMB, EMB), dtype=jnp.float32) * 0.05
    inp['b2'] = jnp.zeros((EMB,), dtype=jnp.float32)
    inp['gamma'] = jnp.ones((EMB,), dtype=jnp.float32)
    inp['beta'] = jnp.zeros((EMB,), dtype=jnp.float32)
    return inp


def reference(video_ids, categories, tags, durations, timestamps,
              video_table, category_table, tag_table, duration_table, time_table,
              W1, b1, W2, b2, gamma, beta):
    video_emb = jnp.take(video_table, video_ids, axis=0)
    category_emb = jnp.take(category_table, categories, axis=0)
    tag_emb = jnp.take(tag_table, tags, axis=0)
    dur_buckets = (durations / MAX_DUR * DUR_BUCKETS).astype(jnp.int32)
    duration_emb = jnp.take(duration_table, dur_buckets, axis=0)
    time_buckets = (timestamps % TIME_BUCKETS).astype(jnp.int32)
    time_emb = jnp.take(time_table, time_buckets, axis=0)
    combined = jnp.concatenate([video_emb, category_emb, tag_emb, duration_emb, time_emb], axis=-1)
    h = jax.nn.relu(combined @ W1 + b1)
    h = h @ W2 + b2
    mean = jnp.mean(h, axis=-1, keepdims=True)
    var = jnp.var(h, axis=-1, keepdims=True)
    out = (h - mean) / jnp.sqrt(var + 1e-3) * gamma + beta
    return out

if __name__ == "__main__":
    import jax
    _d = setup_inputs()
    print(jax.jit(kernel)(*tuple(_d.values())))

</pallas_src>

<mosaic_0001>
#map = affine_map<(d0, d1) -> (0, 0, 0, 0)>
#map1 = affine_map<(d0, d1) -> (0, 0)>
module attributes {stable_mosaic.version = 14 : i64} {
  func.func @k(%arg0: i32, %arg1: i32, %arg2: memref<1x32x50x128xi32, #tpu.memory_space<hbm>>, %arg3: memref<2000000x64xf32, #tpu.memory_space<hbm>>, %arg4: memref<204800x64xf32, #tpu.memory_space<hbm>>, %arg5: memref<1x50x128xi32, #tpu.memory_space<vmem>>, %arg6: memref<1x128x64xf32, #tpu.memory_space<vmem>>, %arg7: memref<1x128x64xf32, #tpu.memory_space<vmem>>, %arg8: memref<!tpu.dma_semaphore, #tpu.memory_space<semaphore_mem>>, %arg9: memref<!tpu.dma_semaphore, #tpu.memory_space<semaphore_mem>>) attributes {dimension_semantics = [#tpu.dimension_semantics<core_parallel>, #tpu.dimension_semantics<subcore_parallel>], iteration_bounds = array<i64: 2, 16>, scalar_prefetch = 0 : i64, scratch_operands = 5 : i64, tpu.core_type = #tpu.core_type<sc_vector_subcore>, window_params = [{transform_indices = #map}, {transform_indices = #map1}, {transform_indices = #map1}]} {
    %mul3A = arith.constant 2 : i32
    %mul3A_0 = arith.muli %arg1, %mul3A : i32
    %add3A = arith.addi %mul3A_0, %arg0 : i32
    %mul3A_1 = arith.constant 6400 : i32
    %mul3A_2 = arith.muli %add3A, %mul3A_1 : i32
    %run_scoped3A = arith.constant 0 : i32
    %run_scoped3A_3 = arith.constant 0 : i32
    "tpu.region"() ({
      %run_scoped3A_21 = tpu.sem_alloc : memref<!tpu.dma_semaphore, #tpu.memory_space<semaphore_mem>>
      %dma_start3A_22 = arith.constant 0 : i32
      %dma_start3A_23 = arith.constant 0 : i32
      %dma_start3A_24 = tpu.memref_slice %arg5[%run_scoped3A_3, %dma_start3A_22, %dma_start3A_23] : memref<1x50x128xi32, #tpu.memory_space<vmem>> -> memref<1x50x128xi32, #tpu.memory_space<vmem>>
      %dma_start3A_25 = tpu.memref_squeeze %dma_start3A_24 : memref<1x50x128xi32, #tpu.memory_space<vmem>> -> memref<50x128xi32, #tpu.memory_space<vmem>>
      %dma_start3A_26 = arith.constant 0 : i32
      %dma_start3A_27 = arith.constant 0 : i32
      %dma_start3A_28 = tpu.memref_slice %arg2[%run_scoped3A, %add3A, %dma_start3A_26, %dma_start3A_27] : memref<1x32x50x128xi32, #tpu.memory_space<hbm>> -> memref<1x1x50x128xi32, #tpu.memory_space<hbm>>
      %dma_start3A_29 = tpu.memref_squeeze %dma_start3A_28 : memref<1x1x50x128xi32, #tpu.memory_space<hbm>> -> memref<50x128xi32, #tpu.memory_space<hbm>>
      %dma_start3A_30 = arith.constant 0 : i32
      %dma_start3A_31 = arith.constant 0 : i32
      %dma_start3A_32 = tpu.memref_slice %arg5[%run_scoped3A_3, %dma_start3A_30, %dma_start3A_31] : memref<1x50x128xi32, #tpu.memory_space<vmem>> -> memref<1x50x128xi32, #tpu.memory_space<vmem>>
      %dma_start3A_33 = tpu.memref_squeeze %dma_start3A_32 : memref<1x50x128xi32, #tpu.memory_space<vmem>> -> memref<50x128xi32, #tpu.memory_space<vmem>>
      %dma_start3A_34 = arith.constant 0 : i32
      %dma_start3A_35 = arith.constant 0 : i32
      %dma_start3A_36 = tpu.memref_slice %arg2[%run_scoped3A, %add3A, %dma_start3A_34, %dma_start3A_35] : memref<1x32x50x128xi32, #tpu.memory_space<hbm>> -> memref<1x1x50x128xi32, #tpu.memory_space<hbm>>
      %dma_start3A_37 = tpu.memref_squeeze %dma_start3A_36 : memref<1x1x50x128xi32, #tpu.memory_space<hbm>> -> memref<50x128xi32, #tpu.memory_space<hbm>>
      tpu.enqueue_dma source(%dma_start3A_37 : memref<50x128xi32, #tpu.memory_space<hbm>>) target(%dma_start3A_33 : memref<50x128xi32, #tpu.memory_space<vmem>>) target_semaphore(%run_scoped3A_21 : memref<!tpu.dma_semaphore, #tpu.memory_space<semaphore_mem>>)
      %dma_wait3A = arith.constant 0 : i32
      %dma_wait3A_38 = arith.constant 0 : i32
      %dma_wait3A_39 = tpu.memref_slice %arg5[%run_scoped3A_3, %dma_wait3A, %dma_wait3A_38] : memref<1x50x128xi32, #tpu.memory_space<vmem>> -> memref<1x50x128xi32, #tpu.memory_space<vmem>>
      %dma_wait3A_40 = tpu.memref_squeeze %dma_wait3A_39 : memref<1x50x128xi32, #tpu.memory_space<vmem>> -> memref<50x128xi32, #tpu.memory_space<vmem>>
      %dma_wait3A_41 = arith.constant 0 : i32
      %dma_wait3A_42 = arith.constant 0 : i32
      %dma_wait3A_43 = tpu.memref_slice %arg2[%run_scoped3A, %add3A, %dma_wait3A_41, %dma_wait3A_42] : memref<1x32x50x128xi32, #tpu.memory_space<hbm>> -> memref<1x1x50x128xi32, #tpu.memory_space<hbm>>
      %dma_wait3A_44 = tpu.memref_squeeze %dma_wait3A_43 : memref<1x1x50x128xi32, #tpu.memory_space<hbm>> -> memref<50x128xi32, #tpu.memory_space<hbm>>
      %dma_wait3A_45 = arith.constant 0 : i32
      %dma_wait3A_46 = arith.constant 0 : i32
      %dma_wait3A_47 = tpu.memref_slice %arg5[%run_scoped3A_3, %dma_wait3A_45, %dma_wait3A_46] : memref<1x50x128xi32, #tpu.memory_space<vmem>> -> memref<1x50x128xi32, #tpu.memory_space<vmem>>
      %dma_wait3A_48 = tpu.memref_squeeze %dma_wait3A_47 : memref<1x50x128xi32, #tpu.memory_space<vmem>> -> memref<50x128xi32, #tpu.memory_space<vmem>>
      %dma_wait3A_49 = arith.constant 0 : i32
      %dma_wait3A_50 = arith.constant 0 : i32
      %dma_wait3A_51 = tpu.memref_slice %arg2[%run_scoped3A, %add3A, %dma_wait3A_49, %dma_wait3A_50] : memref<1x32x50x128xi32, #tpu.memory_space<hbm>> -> memref<1x1x50x128xi32, #tpu.memory_space<hbm>>
      %dma_wait3A_52 = tpu.memref_squeeze %dma_wait3A_51 : memref<1x1x50x128xi32, #tpu.memory_space<hbm>> -> memref<50x128xi32, #tpu.memory_space<hbm>>
      tpu.wait_dma2 semaphore(%run_scoped3A_21 : memref<!tpu.dma_semaphore, #tpu.memory_space<semaphore_mem>>) src(%dma_wait3A_52 : memref<50x128xi32, #tpu.memory_space<hbm>>) dst(%dma_wait3A_48 : memref<50x128xi32, #tpu.memory_space<vmem>>)
      tpu.yield
    }) : () -> ()
    %dma_start3A = arith.constant 0 : i32
    %dma_start3A_4 = arith.constant 0 : i32
    %dma_start3A_5 = arith.constant 0 : i32
    %dma_start3A_6 = arith.constant 0 : i32
    %dma_start3A_7 = arith.constant 0 : i32
    %dma_start3A_8 = tpu.memref_slice %arg6[%dma_start3A_5, %dma_start3A_6, %dma_start3A_7] : memref<1x128x64xf32, #tpu.memory_space<vmem>> -> memref<1x128x64xf32, #tpu.memory_space<vmem>>
    %dma_start3A_9 = tpu.memref_squeeze %dma_start3A_8 : memref<1x128x64xf32, #tpu.memory_space<vmem>> -> memref<128x64xf32, #tpu.memory_space<vmem>>
    %dma_start3A_10 = arith.constant 0 : i32
    %dma_start3A_11 = tpu.memref_slice %arg5[%dma_start3A, %dma_start3A_4, %dma_start3A_10] : memref<1x50x128xi32, #tpu.memory_space<vmem>> -> memref<1x1x128xi32, #tpu.memory_space<vmem>>
    %dma_start3A_12 = tpu.memref_squeeze %dma_start3A_11 : memref<1x1x128xi32, #tpu.memory_space<vmem>> -> memref<128xi32, #tpu.memory_space<vmem>>
    %dma_start3A_13 = arith.constant 0 : i32
    %dma_start3A_14 = arith.constant 0 : i32
    %dma_start3A_15 = tpu.memref_slice %arg3[%dma_start3A_13, %dma_start3A_14] : memref<2000000x64xf32, #tpu.memory_space<hbm>> -> memref<2000000x64xf32, #tpu.memory_space<hbm>>
    tpu.enqueue_indirect_dma source(%dma_start3A_15 : memref<2000000x64xf32, #tpu.memory_space<hbm>>) target(%dma_start3A_9 : memref<128x64xf32, #tpu.memory_space<vmem>>) offsets(%dma_start3A_12 : memref<128xi32, #tpu.memory_space<vmem>>) semaphore(%arg8 : memref<!tpu.dma_semaphore, #tpu.memory_space<semaphore_mem>>)
    %scan3A = arith.constant 0 : i32
    %scan3A_16 = arith.constant 0 : i32
    %scan3A_17 = arith.constant 25 : i32
    %scan3A_18 = arith.addi %scan3A_16, %scan3A_17 : i32
    %scan3A_19 = arith.constant 1 : i32
    scf.for %scan3A_21 = %scan3A_16 to %scan3A_18 step %scan3A_19  : i32 {
      %mul3A_22 = arith.constant 2 : i32
      %mul3A_23 = arith.muli %scan3A_21, %mul3A_22 : i32
      %add3A_24 = arith.constant 1 : i32
      %add3A_25 = arith.addi %mul3A_23, %add3A_24 : i32
      %dma_start3A_26 = arith.constant 0 : i32
      %dma_start3A_27 = arith.constant 0 : i32
      %dma_start3A_28 = arith.constant 0 : i32
      %dma_start3A_29 = arith.constant 0 : i32
      %dma_start3A_30 = tpu.memref_slice %arg7[%dma_start3A_27, %dma_start3A_28, %dma_start3A_29] : memref<1x128x64xf32, #tpu.memory_space<vmem>> -> memref<1x128x64xf32, #tpu.memory_space<vmem>>
      %dma_start3A_31 = tpu.memref_squeeze %dma_start3A_30 : memref<1x128x64xf32, #tpu.memory_space<vmem>> -> memref<128x64xf32, #tpu.memory_space<vmem>>
      %dma_start3A_32 = arith.constant 0 : i32
      %dma_start3A_33 = tpu.memref_slice %arg5[%dma_start3A_26, %add3A_25, %dma_start3A_32] : memref<1x50x128xi32, #tpu.memory_space<vmem>> -> memref<1x1x128xi32, #tpu.memory_space<vmem>>
      %dma_start3A_34 = tpu.memref_squeeze %dma_start3A_33 : memref<1x1x128xi32, #tpu.memory_space<vmem>> -> memref<128xi32, #tpu.memory_space<vmem>>
      %dma_start3A_35 = arith.constant 0 : i32
      %dma_start3A_36 = arith.constant 0 : i32
      %dma_start3A_37 = tpu.memref_slice %arg3[%dma_start3A_35, %dma_start3A_36] : memref<2000000x64xf32, #tpu.memory_space<hbm>> -> memref<2000000x64xf32, #tpu.memory_space<hbm>>
      tpu.enqueue_indirect_dma source(%dma_start3A_37 : memref<2000000x64xf32, #tpu.memory_space<hbm>>) target(%dma_start3A_31 : memref<128x64xf32, #tpu.memory_space<vmem>>) offsets(%dma_start3A_34 : memref<128xi32, #tpu.memory_space<vmem>>) semaphore(%arg9 : memref<!tpu.dma_semaphore, #tpu.memory_space<semaphore_mem>>)
      %dma_wait3A = arith.constant 0 : i32
      %dma_wait3A_38 = arith.constant 0 : i32
      %dma_wait3A_39 = arith.constant 0 : i32
      %dma_wait3A_40 = arith.constant 0 : i32
      %dma_wait3A_41 = tpu.memref_slice %arg6[%dma_wait3A_38, %dma_wait3A_39, %dma_wait3A_40] : memref<1x128x64xf32, #tpu.memory_space<vmem>> -> memref<1x128x64xf32, #tpu.memory_space<vmem>>
      %dma_wait3A_42 = tpu.memref_squeeze %dma_wait3A_41 : memref<1x128x64xf32, #tpu.memory_space<vmem>> -> memref<128x64xf32, #tpu.memory_space<vmem>>
      %dma_wait3A_43 = arith.constant 0 : i32
      %dma_wait3A_44 = tpu.memref_slice %arg5[%dma_wait3A, %mul3A_23, %dma_wait3A_43] : memref<1x50x128xi32, #tpu.memory_space<vmem>> -> memref<1x1x128xi32, #tpu.memory_space<vmem>>
      %dma_wait3A_45 = tpu.memref_squeeze %dma_wait3A_44 : memref<1x1x128xi32, #tpu.memory_space<vmem>> -> memref<128xi32, #tpu.memory_space<vmem>>
      %dma_wait3A_46 = arith.constant 0 : i32
      %dma_wait3A_47 = arith.constant 0 : i32
      %dma_wait3A_48 = tpu.memref_slice %arg3[%dma_wait3A_46, %dma_wait3A_47] : memref<2000000x64xf32, #tpu.memory_space<hbm>> -> memref<2000000x64xf32, #tpu.memory_space<hbm>>
      tpu.wait_indirect_dma semaphore(%arg8 : memref<!tpu.dma_semaphore, #tpu.memory_space<semaphore_mem>>) src(%dma_wait3A_48 : memref<2000000x64xf32, #tpu.memory_space<hbm>>) dst(%dma_wait3A_42 : memref<128x64xf32, #tpu.memory_space<vmem>>)
      %mul3A_49 = arith.constant 128 : i32
      %mul3A_50 = arith.muli %mul3A_23, %mul3A_49 : i32
      %add3A_51 = arith.addi %mul3A_2, %mul3A_50 : i32
      %run_scoped3A_52 = arith.constant 0 : i32
      "tpu.region"() ({
        %run_scoped3A_73 = tpu.sem_alloc : memref<!tpu.dma_semaphore, #tpu.memory_space<semaphore_mem>>
        %dma_start3A_74 = arith.constant 0 : i32
        %dma_start3A_75 = arith.constant 0 : i32
        %dma_start3A_76 = tpu.memref_slice %arg6[%run_scoped3A_52, %dma_start3A_74, %dma_start3A_75] : memref<1x128x64xf32, #tpu.memory_space<vmem>> -> memref<1x128x64xf32, #tpu.memory_space<vmem>>
        %dma_start3A_77 = tpu.memref_squeeze %dma_start3A_76 : memref<1x128x64xf32, #tpu.memory_space<vmem>> -> memref<128x64xf32, #tpu.memory_space<vmem>>
        %dma_start3A_78 = arith.constant 0 : i32
        %dma_start3A_79 = tpu.memref_slice %arg4[%add3A_51, %dma_start3A_78] : memref<204800x64xf32, #tpu.memory_space<hbm>> -> memref<128x64xf32, #tpu.memory_space<hbm>>
        %dma_start3A_80 = arith.constant 0 : i32
        %dma_start3A_81 = tpu.memref_slice %arg4[%add3A_51, %dma_start3A_80] : memref<204800x64xf32, #tpu.memory_space<hbm>> -> memref<128x64xf32, #tpu.memory_space<hbm>>
        %dma_start3A_82 = arith.constant 0 : i32
        %dma_start3A_83 = arith.constant 0 : i32
        %dma_start3A_84 = tpu.memref_slice %arg6[%run_scoped3A_52, %dma_start3A_82, %dma_start3A_83] : memref<1x128x64xf32, #tpu.memory_space<vmem>> -> memref<1x128x64xf32, #tpu.memory_space<vmem>>
        %dma_start3A_85 = tpu.memref_squeeze %dma_start3A_84 : memref<1x128x64xf32, #tpu.memory_space<vmem>> -> memref<128x64xf32, #tpu.memory_space<vmem>>
        tpu.enqueue_dma source(%dma_start3A_85 : memref<128x64xf32, #tpu.memory_space<vmem>>) target(%dma_start3A_81 : memref<128x64xf32, #tpu.memory_space<hbm>>) target_semaphore(%run_scoped3A_73 : memref<!tpu.dma_semaphore, #tpu.memory_space<semaphore_mem>>)
        %dma_wait3A_86 = arith.constant 0 : i32
        %dma_wait3A_87 = arith.constant 0 : i32
        %dma_wait3A_88 = tpu.memref_slice %arg6[%run_scoped3A_52, %dma_wait3A_86, %dma_wait3A_87] : memref<1x128x64xf32, #tpu.memory_space<vmem>> -> memref<1x128x64xf32, #tpu.memory_space<vmem>>
        %dma_wait3A_89 = tpu.memref_squeeze %dma_wait3A_88 : memref<1x128x64xf32, #tpu.memory_space<vmem>> -> memref<128x64xf32, #tpu.memory_space<vmem>>
        %dma_wait3A_90 = arith.constant 0 : i32
        %dma_wait3A_91 = tpu.memref_slice %arg4[%add3A_51, %dma_wait3A_90] : memref<204800x64xf32, #tpu.memory_space<hbm>> -> memref<128x64xf32, #tpu.memory_space<hbm>>
        %dma_wait3A_92 = arith.constant 0 : i32
        %dma_wait3A_93 = tpu.memref_slice %arg4[%add3A_51, %dma_wait3A_92] : memref<204800x64xf32, #tpu.memory_space<hbm>> -> memref<128x64xf32, #tpu.memory_space<hbm>>
        %dma_wait3A_94 = arith.constant 0 : i32
        %dma_wait3A_95 = arith.constant 0 : i32
        %dma_wait3A_96 = tpu.memref_slice %arg6[%run_scoped3A_52, %dma_wait3A_94, %dma_wait3A_95] : memref<1x128x64xf32, #tpu.memory_space<vmem>> -> memref<1x128x64xf32, #tpu.memory_space<vmem>>
        %dma_wait3A_97 = tpu.memref_squeeze %dma_wait3A_96 : memref<1x128x64xf32, #tpu.memory_space<vmem>> -> memref<128x64xf32, #tpu.memory_space<vmem>>
        tpu.wait_dma2 semaphore(%run_scoped3A_73 : memref<!tpu.dma_semaphore, #tpu.memory_space<semaphore_mem>>) src(%dma_wait3A_97 : memref<128x64xf32, #tpu.memory_space<vmem>>) dst(%dma_wait3A_93 : memref<128x64xf32, #tpu.memory_space<hbm>>)
        tpu.yield
      }) : () -> ()
      %lt3A = arith.constant 24 : i32
      %lt3A_53 = arith.cmpi slt, %scan3A_21, %lt3A : i32
      %convert_element_type3A = arith.extui %lt3A_53 : i1 to i32
      %cond3A = arith.constant 0 : i32
      %cond3A_54 = arith.cmpi ne, %convert_element_type3A, %cond3A : i32
      scf.if %cond3A_54 {
        %add3A_73 = arith.constant 2 : i32
        %add3A_74 = arith.addi %mul3A_23, %add3A_73 : i32
        %dma_start3A_75 = arith.constant 0 : i32
        %dma_start3A_76 = arith.constant 0 : i32
        %dma_start3A_77 = arith.constant 0 : i32
        %dma_start3A_78 = arith.constant 0 : i32
        %dma_start3A_79 = tpu.memref_slice %arg6[%dma_start3A_76, %dma_start3A_77, %dma_start3A_78] : memref<1x128x64xf32, #tpu.memory_space<vmem>> -> memref<1x128x64xf32, #tpu.memory_space<vmem>>
        %dma_start3A_80 = tpu.memref_squeeze %dma_start3A_79 : memref<1x128x64xf32, #tpu.memory_space<vmem>> -> memref<128x64xf32, #tpu.memory_space<vmem>>
        %dma_start3A_81 = arith.constant 0 : i32
        %dma_start3A_82 = tpu.memref_slice %arg5[%dma_start3A_75, %add3A_74, %dma_start3A_81] : memref<1x50x128xi32, #tpu.memory_space<vmem>> -> memref<1x1x128xi32, #tpu.memory_space<vmem>>
        %dma_start3A_83 = tpu.memref_squeeze %dma_start3A_82 : memref<1x1x128xi32, #tpu.memory_space<vmem>> -> memref<128xi32, #tpu.memory_space<vmem>>
        %dma_start3A_84 = arith.constant 0 : i32
        %dma_start3A_85 = arith.constant 0 : i32
        %dma_start3A_86 = tpu.memref_slice %arg3[%dma_start3A_84, %dma_start3A_85] : memref<2000000x64xf32, #tpu.memory_space<hbm>> -> memref<2000000x64xf32, #tpu.memory_space<hbm>>
        tpu.enqueue_indirect_dma source(%dma_start3A_86 : memref<2000000x64xf32, #tpu.memory_space<hbm>>) target(%dma_start3A_80 : memref<128x64xf32, #tpu.memory_space<vmem>>) offsets(%dma_start3A_83 : memref<128xi32, #tpu.memory_space<vmem>>) semaphore(%arg8 : memref<!tpu.dma_semaphore, #tpu.memory_space<semaphore_mem>>)
      } else {
      }
      %dma_wait3A_55 = arith.constant 0 : i32
      %dma_wait3A_56 = arith.constant 0 : i32
      %dma_wait3A_57 = arith.constant 0 : i32
      %dma_wait3A_58 = arith.constant 0 : i32
      %dma_wait3A_59 = tpu.memref_slice %arg7[%dma_wait3A_56, %dma_wait3A_57, %dma_wait3A_58] : memref<1x128x64xf32, #tpu.memory_space<vmem>> -> memref<1x128x64xf32, #tpu.memory_space<vmem>>
      %dma_wait3A_60 = tpu.memref_squeeze %dma_wait3A_59 : memref<1x128x64xf32, #tpu.memory_space<vmem>> -> memref<128x64xf32, #tpu.memory_space<vmem>>
      %dma_wait3A_61 = arith.constant 0 : i32
      %dma_wait3A_62 = tpu.memref_slice %arg5[%dma_wait3A_55, %add3A_25, %dma_wait3A_61] : memref<1x50x128xi32, #tpu.memory_space<vmem>> -> memref<1x1x128xi32, #tpu.memory_space<vmem>>
      %dma_wait3A_63 = tpu.memref_squeeze %dma_wait3A_62 : memref<1x1x128xi32, #tpu.memory_space<vmem>> -> memref<128xi32, #tpu.memory_space<vmem>>
      %dma_wait3A_64 = arith.constant 0 : i32
      %dma_wait3A_65 = arith.constant 0 : i32
      %dma_wait3A_66 = tpu.memref_slice %arg3[%dma_wait3A_64, %dma_wait3A_65] : memref<2000000x64xf32, #tpu.memory_space<hbm>> -> memref<2000000x64xf32, #tpu.memory_space<hbm>>
      tpu.wait_indirect_dma semaphore(%arg9 : memref<!tpu.dma_semaphore, #tpu.memory_space<semaphore_mem>>) src(%dma_wait3A_66 : memref<2000000x64xf32, #tpu.memory_space<hbm>>) dst(%dma_wait3A_60 : memref<128x64xf32, #tpu.memory_space<vmem>>)
      %add3A_67 = arith.constant 1 : i32
      %add3A_68 = arith.addi %mul3A_23, %add3A_67 : i32
      %mul3A_69 = arith.constant 128 : i32
      %mul3A_70 = arith.muli %add3A_68, %mul3A_69 : i32
      %add3A_71 = arith.addi %mul3A_2, %mul3A_70 : i32
      %run_scoped3A_72 = arith.constant 0 : i32
      "tpu.region"() ({
        %run_scoped3A_73 = tpu.sem_alloc : memref<!tpu.dma_semaphore, #tpu.memory_space<semaphore_mem>>
        %dma_start3A_74 = arith.constant 0 : i32
        %dma_start3A_75 = arith.constant 0 : i32
        %dma_start3A_76 = tpu.memref_slice %arg7[%run_scoped3A_72, %dma_start3A_74, %dma_start3A_75] : memref<1x128x64xf32, #tpu.memory_space<vmem>> -> memref<1x128x64xf32, #tpu.memory_space<vmem>>
        %dma_start3A_77 = tpu.memref_squeeze %dma_start3A_76 : memref<1x128x64xf32, #tpu.memory_space<vmem>> -> memref<128x64xf32, #tpu.memory_space<vmem>>
        %dma_start3A_78 = arith.constant 0 : i32
        %dma_start3A_79 = tpu.memref_slice %arg4[%add3A_71, %dma_start3A_78] : memref<204800x64xf32, #tpu.memory_space<hbm>> -> memref<128x64xf32, #tpu.memory_space<hbm>>
        %dma_start3A_80 = arith.constant 0 : i32
        %dma_start3A_81 = tpu.memref_slice %arg4[%add3A_71, %dma_start3A_80] : memref<204800x64xf32, #tpu.memory_space<hbm>> -> memref<128x64xf32, #tpu.memory_space<hbm>>
        %dma_start3A_82 = arith.constant 0 : i32
        %dma_start3A_83 = arith.constant 0 : i32
        %dma_start3A_84 = tpu.memref_slice %arg7[%run_scoped3A_72, %dma_start3A_82, %dma_start3A_83] : memref<1x128x64xf32, #tpu.memory_space<vmem>> -> memref<1x128x64xf32, #tpu.memory_space<vmem>>
        %dma_start3A_85 = tpu.memref_squeeze %dma_start3A_84 : memref<1x128x64xf32, #tpu.memory_space<vmem>> -> memref<128x64xf32, #tpu.memory_space<vmem>>
        tpu.enqueue_dma source(%dma_start3A_85 : memref<128x64xf32, #tpu.memory_space<vmem>>) target(%dma_start3A_81 : memref<128x64xf32, #tpu.memory_space<hbm>>) target_semaphore(%run_scoped3A_73 : memref<!tpu.dma_semaphore, #tpu.memory_space<semaphore_mem>>)
        %dma_wait3A_86 = arith.constant 0 : i32
        %dma_wait3A_87 = arith.constant 0 : i32
        %dma_wait3A_88 = tpu.memref_slice %arg7[%run_scoped3A_72, %dma_wait3A_86, %dma_wait3A_87] : memref<1x128x64xf32, #tpu.memory_space<vmem>> -> memref<1x128x64xf32, #tpu.memory_space<vmem>>
        %dma_wait3A_89 = tpu.memref_squeeze %dma_wait3A_88 : memref<1x128x64xf32, #tpu.memory_space<vmem>> -> memref<128x64xf32, #tpu.memory_space<vmem>>
        %dma_wait3A_90 = arith.constant 0 : i32
        %dma_wait3A_91 = tpu.memref_slice %arg4[%add3A_71, %dma_wait3A_90] : memref<204800x64xf32, #tpu.memory_space<hbm>> -> memref<128x64xf32, #tpu.memory_space<hbm>>
        %dma_wait3A_92 = arith.constant 0 : i32
        %dma_wait3A_93 = tpu.memref_slice %arg4[%add3A_71, %dma_wait3A_92] : memref<204800x64xf32, #tpu.memory_space<hbm>> -> memref<128x64xf32, #tpu.memory_space<hbm>>
        %dma_wait3A_94 = arith.constant 0 : i32
        %dma_wait3A_95 = arith.constant 0 : i32
        %dma_wait3A_96 = tpu.memref_slice %arg7[%run_scoped3A_72, %dma_wait3A_94, %dma_wait3A_95] : memref<1x128x64xf32, #tpu.memory_space<vmem>> -> memref<1x128x64xf32, #tpu.memory_space<vmem>>
        %dma_wait3A_97 = tpu.memref_squeeze %dma_wait3A_96 : memref<1x128x64xf32, #tpu.memory_space<vmem>> -> memref<128x64xf32, #tpu.memory_space<vmem>>
        tpu.wait_dma2 semaphore(%run_scoped3A_73 : memref<!tpu.dma_semaphore, #tpu.memory_space<semaphore_mem>>) src(%dma_wait3A_97 : memref<128x64xf32, #tpu.memory_space<vmem>>) dst(%dma_wait3A_93 : memref<128x64xf32, #tpu.memory_space<hbm>>)
        tpu.yield
      }) : () -> ()
    }
    %scan3A_20 = arith.constant 25 : i32
    return
  }
}

#map = affine_map<(d0, d1) -> (0, 0, 0, 0)>
#map1 = affine_map<(d0, d1) -> (0, 0)>
module attributes {stable_mosaic.version = 14 : i64} {
  func.func @k(%arg0: i32, %arg1: i32, %arg2: memref<4x32x50x128xi32, #tpu.memory_space<hbm>>, %arg3: memref<2000x64xf32, #tpu.memory_space<hbm>>, %arg4: memref<200000x64xf32, #tpu.memory_space<hbm>>, %arg5: memref<200x64xf32, #tpu.memory_space<hbm>>, %arg6: memref<336x64xf32, #tpu.memory_space<hbm>>, %arg7: memref<204800x64xf32, #tpu.memory_space<hbm>>, %arg8: memref<4x50x128xi32, #tpu.memory_space<vmem>>, %arg9: memref<4x128x64xf32, #tpu.memory_space<vmem>>, %arg10: memref<4x128x64xf32, #tpu.memory_space<vmem>>, %arg11: memref<128x64xf32, #tpu.memory_space<vmem>>, %arg12: memref<128x64xf32, #tpu.memory_space<vmem>>, %arg13: memref<!tpu.dma_semaphore, #tpu.memory_space<semaphore_mem>>, %arg14: memref<!tpu.dma_semaphore, #tpu.memory_space<semaphore_mem>>) attributes {dimension_semantics = [#tpu.dimension_semantics<core_parallel>, #tpu.dimension_semantics<subcore_parallel>], iteration_bounds = array<i64: 2, 16>, scalar_prefetch = 0 : i64, scratch_operands = 7 : i64, tpu.core_type = #tpu.core_type<sc_vector_subcore>, window_params = [{transform_indices = #map}, {transform_indices = #map1}, {transform_indices = #map1}, {transform_indices = #map1}, {transform_indices = #map1}, {transform_indices = #map1}]} {
    %mul3A = arith.constant 2 : i32
    %mul3A_0 = arith.muli %arg1, %mul3A : i32
    %add3A = arith.addi %mul3A_0, %arg0 : i32
    %mul3A_1 = arith.constant 6400 : i32
    %mul3A_2 = arith.muli %add3A, %mul3A_1 : i32
    %run_scoped3A = arith.constant 0 : i32
    %run_scoped3A_3 = arith.constant 0 : i32
    "tpu.region"() ({
      %run_scoped3A_66 = tpu.sem_alloc : memref<!tpu.dma_semaphore, #tpu.memory_space<semaphore_mem>>
      %dma_start3A_67 = arith.constant 0 : i32
      %dma_start3A_68 = arith.constant 0 : i32
      %dma_start3A_69 = tpu.memref_slice %arg8[%run_scoped3A_3, %dma_start3A_67, %dma_start3A_68] : memref<4x50x128xi32, #tpu.memory_space<vmem>> -> memref<1x50x128xi32, #tpu.memory_space<vmem>>
      %dma_start3A_70 = tpu.memref_squeeze %dma_start3A_69 : memref<1x50x128xi32, #tpu.memory_space<vmem>> -> memref<50x128xi32, #tpu.memory_space<vmem>>
      %dma_start3A_71 = arith.constant 0 : i32
      %dma_start3A_72 = arith.constant 0 : i32
      %dma_start3A_73 = tpu.memref_slice %arg2[%run_scoped3A, %add3A, %dma_start3A_71, %dma_start3A_72] : memref<4x32x50x128xi32, #tpu.memory_space<hbm>> -> memref<1x1x50x128xi32, #tpu.memory_space<hbm>>
      %dma_start3A_74 = tpu.memref_squeeze %dma_start3A_73 : memref<1x1x50x128xi32, #tpu.memory_space<hbm>> -> memref<50x128xi32, #tpu.memory_space<hbm>>
      %dma_start3A_75 = arith.constant 0 : i32
      %dma_start3A_76 = arith.constant 0 : i32
      %dma_start3A_77 = tpu.memref_slice %arg8[%run_scoped3A_3, %dma_start3A_75, %dma_start3A_76] : memref<4x50x128xi32, #tpu.memory_space<vmem>> -> memref<1x50x128xi32, #tpu.memory_space<vmem>>
      %dma_start3A_78 = tpu.memref_squeeze %dma_start3A_77 : memref<1x50x128xi32, #tpu.memory_space<vmem>> -> memref<50x128xi32, #tpu.memory_space<vmem>>
      %dma_start3A_79 = arith.constant 0 : i32
      %dma_start3A_80 = arith.constant 0 : i32
      %dma_start3A_81 = tpu.memref_slice %arg2[%run_scoped3A, %add3A, %dma_start3A_79, %dma_start3A_80] : memref<4x32x50x128xi32, #tpu.memory_space<hbm>> -> memref<1x1x50x128xi32, #tpu.memory_space<hbm>>
      %dma_start3A_82 = tpu.memref_squeeze %dma_start3A_81 : memref<1x1x50x128xi32, #tpu.memory_space<hbm>> -> memref<50x128xi32, #tpu.memory_space<hbm>>
      tpu.enqueue_dma source(%dma_start3A_82 : memref<50x128xi32, #tpu.memory_space<hbm>>) target(%dma_start3A_78 : memref<50x128xi32, #tpu.memory_space<vmem>>) target_semaphore(%run_scoped3A_66 : memref<!tpu.dma_semaphore, #tpu.memory_space<semaphore_mem>>)
      %dma_wait3A = arith.constant 0 : i32
      %dma_wait3A_83 = arith.constant 0 : i32
      %dma_wait3A_84 = tpu.memref_slice %arg8[%run_scoped3A_3, %dma_wait3A, %dma_wait3A_83] : memref<4x50x128xi32, #tpu.memory_space<vmem>> -> memref<1x50x128xi32, #tpu.memory_space<vmem>>
      %dma_wait3A_85 = tpu.memref_squeeze %dma_wait3A_84 : memref<1x50x128xi32, #tpu.memory_space<vmem>> -> memref<50x128xi32, #tpu.memory_space<vmem>>
      %dma_wait3A_86 = arith.constant 0 : i32
      %dma_wait3A_87 = arith.constant 0 : i32
      %dma_wait3A_88 = tpu.memref_slice %arg2[%run_scoped3A, %add3A, %dma_wait3A_86, %dma_wait3A_87] : memref<4x32x50x128xi32, #tpu.memory_space<hbm>> -> memref<1x1x50x128xi32, #tpu.memory_space<hbm>>
      %dma_wait3A_89 = tpu.memref_squeeze %dma_wait3A_88 : memref<1x1x50x128xi32, #tpu.memory_space<hbm>> -> memref<50x128xi32, #tpu.memory_space<hbm>>
      %dma_wait3A_90 = arith.constant 0 : i32
      %dma_wait3A_91 = arith.constant 0 : i32
      %dma_wait3A_92 = tpu.memref_slice %arg8[%run_scoped3A_3, %dma_wait3A_90, %dma_wait3A_91] : memref<4x50x128xi32, #tpu.memory_space<vmem>> -> memref<1x50x128xi32, #tpu.memory_space<vmem>>
      %dma_wait3A_93 = tpu.memref_squeeze %dma_wait3A_92 : memref<1x50x128xi32, #tpu.memory_space<vmem>> -> memref<50x128xi32, #tpu.memory_space<vmem>>
      %dma_wait3A_94 = arith.constant 0 : i32
      %dma_wait3A_95 = arith.constant 0 : i32
      %dma_wait3A_96 = tpu.memref_slice %arg2[%run_scoped3A, %add3A, %dma_wait3A_94, %dma_wait3A_95] : memref<4x32x50x128xi32, #tpu.memory_space<hbm>> -> memref<1x1x50x128xi32, #tpu.memory_space<hbm>>
      %dma_wait3A_97 = tpu.memref_squeeze %dma_wait3A_96 : memref<1x1x50x128xi32, #tpu.memory_space<hbm>> -> memref<50x128xi32, #tpu.memory_space<hbm>>
      tpu.wait_dma2 semaphore(%run_scoped3A_66 : memref<!tpu.dma_semaphore, #tpu.memory_space<semaphore_mem>>) src(%dma_wait3A_97 : memref<50x128xi32, #tpu.memory_space<hbm>>) dst(%dma_wait3A_93 : memref<50x128xi32, #tpu.memory_space<vmem>>)
      tpu.yield
    }) : () -> ()
    %run_scoped3A_4 = arith.constant 1 : i32
    %run_scoped3A_5 = arith.constant 1 : i32
    "tpu.region"() ({
      %run_scoped3A_66 = tpu.sem_alloc : memref<!tpu.dma_semaphore, #tpu.memory_space<semaphore_mem>>
      %dma_start3A_67 = arith.constant 0 : i32
      %dma_start3A_68 = arith.constant 0 : i32
      %dma_start3A_69 = tpu.memref_slice %arg8[%run_scoped3A_5, %dma_start3A_67, %dma_start3A_68] : memref<4x50x128xi32, #tpu.memory_space<vmem>> -> memref<1x50x128xi32, #tpu.memory_space<vmem>>
      %dma_start3A_70 = tpu.memref_squeeze %dma_start3A_69 : memref<1x50x128xi32, #tpu.memory_space<vmem>> -> memref<50x128xi32, #tpu.memory_space<vmem>>
      %dma_start3A_71 = arith.constant 0 : i32
      %dma_start3A_72 = arith.constant 0 : i32
      %dma_start3A_73 = tpu.memref_slice %arg2[%run_scoped3A_4, %add3A, %dma_start3A_71, %dma_start3A_72] : memref<4x32x50x128xi32, #tpu.memory_space<hbm>> -> memref<1x1x50x128xi32, #tpu.memory_space<hbm>>
      %dma_start3A_74 = tpu.memref_squeeze %dma_start3A_73 : memref<1x1x50x128xi32, #tpu.memory_space<hbm>> -> memref<50x128xi32, #tpu.memory_space<hbm>>
      %dma_start3A_75 = arith.constant 0 : i32
      %dma_start3A_76 = arith.constant 0 : i32
      %dma_start3A_77 = tpu.memref_slice %arg8[%run_scoped3A_5, %dma_start3A_75, %dma_start3A_76] : memref<4x50x128xi32, #tpu.memory_space<vmem>> -> memref<1x50x128xi32, #tpu.memory_space<vmem>>
      %dma_start3A_78 = tpu.memref_squeeze %dma_start3A_77 : memref<1x50x128xi32, #tpu.memory_space<vmem>> -> memref<50x128xi32, #tpu.memory_space<vmem>>
      %dma_start3A_79 = arith.constant 0 : i32
      %dma_start3A_80 = arith.constant 0 : i32
      %dma_start3A_81 = tpu.memref_slice %arg2[%run_scoped3A_4, %add3A, %dma_start3A_79, %dma_start3A_80] : memref<4x32x50x128xi32, #tpu.memory_space<hbm>> -> memref<1x1x50x128xi32, #tpu.memory_space<hbm>>
      %dma_start3A_82 = tpu.memref_squeeze %dma_start3A_81 : memref<1x1x50x128xi32, #tpu.memory_space<hbm>> -> memref<50x128xi32, #tpu.memory_space<hbm>>
      tpu.enqueue_dma source(%dma_start3A_82 : memref<50x128xi32, #tpu.memory_space<hbm>>) target(%dma_start3A_78 : memref<50x128xi32, #tpu.memory_space<vmem>>) target_semaphore(%run_scoped3A_66 : memref<!tpu.dma_semaphore, #tpu.memory_space<semaphore_mem>>)
      %dma_wait3A = arith.constant 0 : i32
      %dma_wait3A_83 = arith.constant 0 : i32
      %dma_wait3A_84 = tpu.memref_slice %arg8[%run_scoped3A_5, %dma_wait3A, %dma_wait3A_83] : memref<4x50x128xi32, #tpu.memory_space<vmem>> -> memref<1x50x128xi32, #tpu.memory_space<vmem>>
      %dma_wait3A_85 = tpu.memref_squeeze %dma_wait3A_84 : memref<1x50x128xi32, #tpu.memory_space<vmem>> -> memref<50x128xi32, #tpu.memory_space<vmem>>
      %dma_wait3A_86 = arith.constant 0 : i32
      %dma_wait3A_87 = arith.constant 0 : i32
      %dma_wait3A_88 = tpu.memref_slice %arg2[%run_scoped3A_4, %add3A, %dma_wait3A_86, %dma_wait3A_87] : memref<4x32x50x128xi32, #tpu.memory_space<hbm>> -> memref<1x1x50x128xi32, #tpu.memory_space<hbm>>
      %dma_wait3A_89 = tpu.memref_squeeze %dma_wait3A_88 : memref<1x1x50x128xi32, #tpu.memory_space<hbm>> -> memref<50x128xi32, #tpu.memory_space<hbm>>
      %dma_wait3A_90 = arith.constant 0 : i32
      %dma_wait3A_91 = arith.constant 0 : i32
      %dma_wait3A_92 = tpu.memref_slice %arg8[%run_scoped3A_5, %dma_wait3A_90, %dma_wait3A_91] : memref<4x50x128xi32, #tpu.memory_space<vmem>> -> memref<1x50x128xi32, #tpu.memory_space<vmem>>
      %dma_wait3A_93 = tpu.memref_squeeze %dma_wait3A_92 : memref<1x50x128xi32, #tpu.memory_space<vmem>> -> memref<50x128xi32, #tpu.memory_space<vmem>>
      %dma_wait3A_94 = arith.constant 0 : i32
      %dma_wait3A_95 = arith.constant 0 : i32
      %dma_wait3A_96 = tpu.memref_slice %arg2[%run_scoped3A_4, %add3A, %dma_wait3A_94, %dma_wait3A_95] : memref<4x32x50x128xi32, #tpu.memory_space<hbm>> -> memref<1x1x50x128xi32, #tpu.memory_space<hbm>>
      %dma_wait3A_97 = tpu.memref_squeeze %dma_wait3A_96 : memref<1x1x50x128xi32, #tpu.memory_space<hbm>> -> memref<50x128xi32, #tpu.memory_space<hbm>>
      tpu.wait_dma2 semaphore(%run_scoped3A_66 : memref<!tpu.dma_semaphore, #tpu.memory_space<semaphore_mem>>) src(%dma_wait3A_97 : memref<50x128xi32, #tpu.memory_space<hbm>>) dst(%dma_wait3A_93 : memref<50x128xi32, #tpu.memory_space<vmem>>)
      tpu.yield
    }) : () -> ()
    %run_scoped3A_6 = arith.constant 2 : i32
    %run_scoped3A_7 = arith.constant 2 : i32
    "tpu.region"() ({
      %run_scoped3A_66 = tpu.sem_alloc : memref<!tpu.dma_semaphore, #tpu.memory_space<semaphore_mem>>
      %dma_start3A_67 = arith.constant 0 : i32
      %dma_start3A_68 = arith.constant 0 : i32
      %dma_start3A_69 = tpu.memref_slice %arg8[%run_scoped3A_7, %dma_start3A_67, %dma_start3A_68] : memref<4x50x128xi32, #tpu.memory_space<vmem>> -> memref<1x50x128xi32, #tpu.memory_space<vmem>>
      %dma_start3A_70 = tpu.memref_squeeze %dma_start3A_69 : memref<1x50x128xi32, #tpu.memory_space<vmem>> -> memref<50x128xi32, #tpu.memory_space<vmem>>
      %dma_start3A_71 = arith.constant 0 : i32
      %dma_start3A_72 = arith.constant 0 : i32
      %dma_start3A_73 = tpu.memref_slice %arg2[%run_scoped3A_6, %add3A, %dma_start3A_71, %dma_start3A_72] : memref<4x32x50x128xi32, #tpu.memory_space<hbm>> -> memref<1x1x50x128xi32, #tpu.memory_space<hbm>>
      %dma_start3A_74 = tpu.memref_squeeze %dma_start3A_73 : memref<1x1x50x128xi32, #tpu.memory_space<hbm>> -> memref<50x128xi32, #tpu.memory_space<hbm>>
      %dma_start3A_75 = arith.constant 0 : i32
      %dma_start3A_76 = arith.constant 0 : i32
      %dma_start3A_77 = tpu.memref_slice %arg8[%run_scoped3A_7, %dma_start3A_75, %dma_start3A_76] : memref<4x50x128xi32, #tpu.memory_space<vmem>> -> memref<1x50x128xi32, #tpu.memory_space<vmem>>
      %dma_start3A_78 = tpu.memref_squeeze %dma_start3A_77 : memref<1x50x128xi32, #tpu.memory_space<vmem>> -> memref<50x128xi32, #tpu.memory_space<vmem>>
      %dma_start3A_79 = arith.constant 0 : i32
      %dma_start3A_80 = arith.constant 0 : i32
      %dma_start3A_81 = tpu.memref_slice %arg2[%run_scoped3A_6, %add3A, %dma_start3A_79, %dma_start3A_80] : memref<4x32x50x128xi32, #tpu.memory_space<hbm>> -> memref<1x1x50x128xi32, #tpu.memory_space<hbm>>
      %dma_start3A_82 = tpu.memref_squeeze %dma_start3A_81 : memref<1x1x50x128xi32, #tpu.memory_space<hbm>> -> memref<50x128xi32, #tpu.memory_space<hbm>>
      tpu.enqueue_dma source(%dma_start3A_82 : memref<50x128xi32, #tpu.memory_space<hbm>>) target(%dma_start3A_78 : memref<50x128xi32, #tpu.memory_space<vmem>>) target_semaphore(%run_scoped3A_66 : memref<!tpu.dma_semaphore, #tpu.memory_space<semaphore_mem>>)
      %dma_wait3A = arith.constant 0 : i32
      %dma_wait3A_83 = arith.constant 0 : i32
      %dma_wait3A_84 = tpu.memref_slice %arg8[%run_scoped3A_7, %dma_wait3A, %dma_wait3A_83] : memref<4x50x128xi32, #tpu.memory_space<vmem>> -> memref<1x50x128xi32, #tpu.memory_space<vmem>>
      %dma_wait3A_85 = tpu.memref_squeeze %dma_wait3A_84 : memref<1x50x128xi32, #tpu.memory_space<vmem>> -> memref<50x128xi32, #tpu.memory_space<vmem>>
      %dma_wait3A_86 = arith.constant 0 : i32
      %dma_wait3A_87 = arith.constant 0 : i32
      %dma_wait3A_88 = tpu.memref_slice %arg2[%run_scoped3A_6, %add3A, %dma_wait3A_86, %dma_wait3A_87] : memref<4x32x50x128xi32, #tpu.memory_space<hbm>> -> memref<1x1x50x128xi32, #tpu.memory_space<hbm>>
      %dma_wait3A_89 = tpu.memref_squeeze %dma_wait3A_88 : memref<1x1x50x128xi32, #tpu.memory_space<hbm>> -> memref<50x128xi32, #tpu.memory_space<hbm>>
      %dma_wait3A_90 = arith.constant 0 : i32
      %dma_wait3A_91 = arith.constant 0 : i32
      %dma_wait3A_92 = tpu.memref_slice %arg8[%run_scoped3A_7, %dma_wait3A_90, %dma_wait3A_91] : memref<4x50x128xi32, #tpu.memory_space<vmem>> -> memref<1x50x128xi32, #tpu.memory_space<vmem>>
      %dma_wait3A_93 = tpu.memref_squeeze %dma_wait3A_92 : memref<1x50x128xi32, #tpu.memory_space<vmem>> -> memref<50x128xi32, #tpu.memory_space<vmem>>
      %dma_wait3A_94 = arith.constant 0 : i32
      %dma_wait3A_95 = arith.constant 0 : i32
      %dma_wait3A_96 = tpu.memref_slice %arg2[%run_scoped3A_6, %add3A, %dma_wait3A_94, %dma_wait3A_95] : memref<4x32x50x128xi32, #tpu.memory_space<hbm>> -> memref<1x1x50x128xi32, #tpu.memory_space<hbm>>
      %dma_wait3A_97 = tpu.memref_squeeze %dma_wait3A_96 : memref<1x1x50x128xi32, #tpu.memory_space<hbm>> -> memref<50x128xi32, #tpu.memory_space<hbm>>
      tpu.wait_dma2 semaphore(%run_scoped3A_66 : memref<!tpu.dma_semaphore, #tpu.memory_space<semaphore_mem>>) src(%dma_wait3A_97 : memref<50x128xi32, #tpu.memory_space<hbm>>) dst(%dma_wait3A_93 : memref<50x128xi32, #tpu.memory_space<vmem>>)
      tpu.yield
    }) : () -> ()
    %run_scoped3A_8 = arith.constant 3 : i32
    %run_scoped3A_9 = arith.constant 3 : i32
    "tpu.region"() ({
      %run_scoped3A_66 = tpu.sem_alloc : memref<!tpu.dma_semaphore, #tpu.memory_space<semaphore_mem>>
      %dma_start3A_67 = arith.constant 0 : i32
      %dma_start3A_68 = arith.constant 0 : i32
      %dma_start3A_69 = tpu.memref_slice %arg8[%run_scoped3A_9, %dma_start3A_67, %dma_start3A_68] : memref<4x50x128xi32, #tpu.memory_space<vmem>> -> memref<1x50x128xi32, #tpu.memory_space<vmem>>
      %dma_start3A_70 = tpu.memref_squeeze %dma_start3A_69 : memref<1x50x128xi32, #tpu.memory_space<vmem>> -> memref<50x128xi32, #tpu.memory_space<vmem>>
      %dma_start3A_71 = arith.constant 0 : i32
      %dma_start3A_72 = arith.constant 0 : i32
      %dma_start3A_73 = tpu.memref_slice %arg2[%run_scoped3A_8, %add3A, %dma_start3A_71, %dma_start3A_72] : memref<4x32x50x128xi32, #tpu.memory_space<hbm>> -> memref<1x1x50x128xi32, #tpu.memory_space<hbm>>
      %dma_start3A_74 = tpu.memref_squeeze %dma_start3A_73 : memref<1x1x50x128xi32, #tpu.memory_space<hbm>> -> memref<50x128xi32, #tpu.memory_space<hbm>>
      %dma_start3A_75 = arith.constant 0 : i32
      %dma_start3A_76 = arith.constant 0 : i32
      %dma_start3A_77 = tpu.memref_slice %arg8[%run_scoped3A_9, %dma_start3A_75, %dma_start3A_76] : memref<4x50x128xi32, #tpu.memory_space<vmem>> -> memref<1x50x128xi32, #tpu.memory_space<vmem>>
      %dma_start3A_78 = tpu.memref_squeeze %dma_start3A_77 : memref<1x50x128xi32, #tpu.memory_space<vmem>> -> memref<50x128xi32, #tpu.memory_space<vmem>>
      %dma_start3A_79 = arith.constant 0 : i32
      %dma_start3A_80 = arith.constant 0 : i32
      %dma_start3A_81 = tpu.memref_slice %arg2[%run_scoped3A_8, %add3A, %dma_start3A_79, %dma_start3A_80] : memref<4x32x50x128xi32, #tpu.memory_space<hbm>> -> memref<1x1x50x128xi32, #tpu.memory_space<hbm>>
      %dma_start3A_82 = tpu.memref_squeeze %dma_start3A_81 : memref<1x1x50x128xi32, #tpu.memory_space<hbm>> -> memref<50x128xi32, #tpu.memory_space<hbm>>
      tpu.enqueue_dma source(%dma_start3A_82 : memref<50x128xi32, #tpu.memory_space<hbm>>) target(%dma_start3A_78 : memref<50x128xi32, #tpu.memory_space<vmem>>) target_semaphore(%run_scoped3A_66 : memref<!tpu.dma_semaphore, #tpu.memory_space<semaphore_mem>>)
      %dma_wait3A = arith.constant 0 : i32
      %dma_wait3A_83 = arith.constant 0 : i32
      %dma_wait3A_84 = tpu.memref_slice %arg8[%run_scoped3A_9, %dma_wait3A, %dma_wait3A_83] : memref<4x50x128xi32, #tpu.memory_space<vmem>> -> memref<1x50x128xi32, #tpu.memory_space<vmem>>
      %dma_wait3A_85 = tpu.memref_squeeze %dma_wait3A_84 : memref<1x50x128xi32, #tpu.memory_space<vmem>> -> memref<50x128xi32, #tpu.memory_space<vmem>>
      %dma_wait3A_86 = arith.constant 0 : i32
      %dma_wait3A_87 = arith.constant 0 : i32
      %dma_wait3A_88 = tpu.memref_slice %arg2[%run_scoped3A_8, %add3A, %dma_wait3A_86, %dma_wait3A_87] : memref<4x32x50x128xi32, #tpu.memory_space<hbm>> -> memref<1x1x50x128xi32, #tpu.memory_space<hbm>>
      %dma_wait3A_89 = tpu.memref_squeeze %dma_wait3A_88 : memref<1x1x50x128xi32, #tpu.memory_space<hbm>> -> memref<50x128xi32, #tpu.memory_space<hbm>>
      %dma_wait3A_90 = arith.constant 0 : i32
      %dma_wait3A_91 = arith.constant 0 : i32
      %dma_wait3A_92 = tpu.memref_slice %arg8[%run_scoped3A_9, %dma_wait3A_90, %dma_wait3A_91] : memref<4x50x128xi32, #tpu.memory_space<vmem>> -> memref<1x50x128xi32, #tpu.memory_space<vmem>>
      %dma_wait3A_93 = tpu.memref_squeeze %dma_wait3A_92 : memref<1x50x128xi32, #tpu.memory_space<vmem>> -> memref<50x128xi32, #tpu.memory_space<vmem>>
      %dma_wait3A_94 = arith.constant 0 : i32
      %dma_wait3A_95 = arith.constant 0 : i32
      %dma_wait3A_96 = tpu.memref_slice %arg2[%run_scoped3A_8, %add3A, %dma_wait3A_94, %dma_wait3A_95] : memref<4x32x50x128xi32, #tpu.memory_space<hbm>> -> memref<1x1x50x128xi32, #tpu.memory_space<hbm>>
      %dma_wait3A_97 = tpu.memref_squeeze %dma_wait3A_96 : memref<1x1x50x128xi32, #tpu.memory_space<hbm>> -> memref<50x128xi32, #tpu.memory_space<hbm>>
      tpu.wait_dma2 semaphore(%run_scoped3A_66 : memref<!tpu.dma_semaphore, #tpu.memory_space<semaphore_mem>>) src(%dma_wait3A_97 : memref<50x128xi32, #tpu.memory_space<hbm>>) dst(%dma_wait3A_93 : memref<50x128xi32, #tpu.memory_space<vmem>>)
      tpu.yield
    }) : () -> ()
    %dma_start3A = arith.constant 0 : i32
    %dma_start3A_10 = arith.constant 0 : i32
    %dma_start3A_11 = arith.constant 0 : i32
    %dma_start3A_12 = arith.constant 0 : i32
    %dma_start3A_13 = arith.constant 0 : i32
    %dma_start3A_14 = tpu.memref_slice %arg9[%dma_start3A_11, %dma_start3A_12, %dma_start3A_13] : memref<4x128x64xf32, #tpu.memory_space<vmem>> -> memref<1x128x64xf32, #tpu.memory_space<vmem>>
    %dma_start3A_15 = tpu.memref_squeeze %dma_start3A_14 : memref<1x128x64xf32, #tpu.memory_space<vmem>> -> memref<128x64xf32, #tpu.memory_space<vmem>>
    %dma_start3A_16 = arith.constant 0 : i32
    %dma_start3A_17 = tpu.memref_slice %arg8[%dma_start3A, %dma_start3A_10, %dma_start3A_16] : memref<4x50x128xi32, #tpu.memory_space<vmem>> -> memref<1x1x128xi32, #tpu.memory_space<vmem>>
    %dma_start3A_18 = tpu.memref_squeeze %dma_start3A_17 : memref<1x1x128xi32, #tpu.memory_space<vmem>> -> memref<128xi32, #tpu.memory_space<vmem>>
    %dma_start3A_19 = arith.constant 0 : i32
    %dma_start3A_20 = arith.constant 0 : i32
    %dma_start3A_21 = tpu.memref_slice %arg3[%dma_start3A_19, %dma_start3A_20] : memref<2000x64xf32, #tpu.memory_space<hbm>> -> memref<2000x64xf32, #tpu.memory_space<hbm>>
    tpu.enqueue_indirect_dma source(%dma_start3A_21 : memref<2000x64xf32, #tpu.memory_space<hbm>>) target(%dma_start3A_15 : memref<128x64xf32, #tpu.memory_space<vmem>>) offsets(%dma_start3A_18 : memref<128xi32, #tpu.memory_space<vmem>>) semaphore(%arg13 : memref<!tpu.dma_semaphore, #tpu.memory_space<semaphore_mem>>)
    %dma_start3A_22 = arith.constant 1 : i32
    %dma_start3A_23 = arith.constant 0 : i32
    %dma_start3A_24 = arith.constant 1 : i32
    %dma_start3A_25 = arith.constant 0 : i32
    %dma_start3A_26 = arith.constant 0 : i32
    %dma_start3A_27 = tpu.memref_slice %arg9[%dma_start3A_24, %dma_start3A_25, %dma_start3A_26] : memref<4x128x64xf32, #tpu.memory_space<vmem>> -> memref<1x128x64xf32, #tpu.memory_space<vmem>>
    %dma_start3A_28 = tpu.memref_squeeze %dma_start3A_27 : memref<1x128x64xf32, #tpu.memory_space<vmem>> -> memref<128x64xf32, #tpu.memory_space<vmem>>
    %dma_start3A_29 = arith.constant 0 : i32
    %dma_start3A_30 = tpu.memref_slice %arg8[%dma_start3A_22, %dma_start3A_23, %dma_start3A_29] : memref<4x50x128xi32, #tpu.memory_space<vmem>> -> memref<1x1x128xi32, #tpu.memory_space<vmem>>
    %dma_start3A_31 = tpu.memref_squeeze %dma_start3A_30 : memref<1x1x128xi32, #tpu.memory_space<vmem>> -> memref<128xi32, #tpu.memory_space<vmem>>
    %dma_start3A_32 = arith.constant 0 : i32
    %dma_start3A_33 = arith.constant 0 : i32
    %dma_start3A_34 = tpu.memref_slice %arg4[%dma_start3A_32, %dma_start3A_33] : memref<200000x64xf32, #tpu.memory_space<hbm>> -> memref<200000x64xf32, #tpu.memory_space<hbm>>
    tpu.enqueue_indirect_dma source(%dma_start3A_34 : memref<200000x64xf32, #tpu.memory_space<hbm>>) target(%dma_start3A_28 : memref<128x64xf32, #tpu.memory_space<vmem>>) offsets(%dma_start3A_31 : memref<128xi32, #tpu.memory_space<vmem>>) semaphore(%arg13 : memref<!tpu.dma_semaphore, #tpu.memory_space<semaphore_mem>>)
    %dma_start3A_35 = arith.constant 2 : i32
    %dma_start3A_36 = arith.constant 0 : i32
    %dma_start3A_37 = arith.constant 2 : i32
    %dma_start3A_38 = arith.constant 0 : i32
    %dma_start3A_39 = arith.constant 0 : i32
    %dma_start3A_40 = tpu.memref_slice %arg9[%dma_start3A_37, %dma_start3A_38, %dma_start3A_39] : memref<4x128x64xf32, #tpu.memory_space<vmem>> -> memref<1x128x64xf32, #tpu.memory_space<vmem>>
    %dma_start3A_41 = tpu.memref_squeeze %dma_start3A_40 : memref<1x128x64xf32, #tpu.memory_space<vmem>> -> memref<128x64xf32, #tpu.memory_space<vmem>>
    %dma_start3A_42 = arith.constant 0 : i32
    %dma_start3A_43 = tpu.memref_slice %arg8[%dma_start3A_35, %dma_start3A_36, %dma_start3A_42] : memref<4x50x128xi32, #tpu.memory_space<vmem>> -> memref<1x1x128xi32, #tpu.memory_space<vmem>>
    %dma_start3A_44 = tpu.memref_squeeze %dma_start3A_43 : memref<1x1x128xi32, #tpu.memory_space<vmem>> -> memref<128xi32, #tpu.memory_space<vmem>>
    %dma_start3A_45 = arith.constant 0 : i32
    %dma_start3A_46 = arith.constant 0 : i32
    %dma_start3A_47 = tpu.memref_slice %arg5[%dma_start3A_45, %dma_start3A_46] : memref<200x64xf32, #tpu.memory_space<hbm>> -> memref<200x64xf32, #tpu.memory_space<hbm>>
    tpu.enqueue_indirect_dma source(%dma_start3A_47 : memref<200x64xf32, #tpu.memory_space<hbm>>) target(%dma_start3A_41 : memref<128x64xf32, #tpu.memory_space<vmem>>) offsets(%dma_start3A_44 : memref<128xi32, #tpu.memory_space<vmem>>) semaphore(%arg13 : memref<!tpu.dma_semaphore, #tpu.memory_space<semaphore_mem>>)
    %dma_start3A_48 = arith.constant 3 : i32
    %dma_start3A_49 = arith.constant 0 : i32
    %dma_start3A_50 = arith.constant 3 : i32
    %dma_start3A_51 = arith.constant 0 : i32
    %dma_start3A_52 = arith.constant 0 : i32
    %dma_start3A_53 = tpu.memref_slice %arg9[%dma_start3A_50, %dma_start3A_51, %dma_start3A_52] : memref<4x128x64xf32, #tpu.memory_space<vmem>> -> memref<1x128x64xf32, #tpu.memory_space<vmem>>
    %dma_start3A_54 = tpu.memref_squeeze %dma_start3A_53 : memref<1x128x64xf32, #tpu.memory_space<vmem>> -> memref<128x64xf32, #tpu.memory_space<vmem>>
    %dma_start3A_55 = arith.constant 0 : i32
    %dma_start3A_56 = tpu.memref_slice %arg8[%dma_start3A_48, %dma_start3A_49, %dma_start3A_55] : memref<4x50x128xi32, #tpu.memory_space<vmem>> -> memref<1x1x128xi32, #tpu.memory_space<vmem>>
    %dma_start3A_57 = tpu.memref_squeeze %dma_start3A_56 : memref<1x1x128xi32, #tpu.memory_space<vmem>> -> memref<128xi32, #tpu.memory_space<vmem>>
    %dma_start3A_58 = arith.constant 0 : i32
    %dma_start3A_59 = arith.constant 0 : i32
    %dma_start3A_60 = tpu.memref_slice %arg6[%dma_start3A_58, %dma_start3A_59] : memref<336x64xf32, #tpu.memory_space<hbm>> -> memref<336x64xf32, #tpu.memory_space<hbm>>
    tpu.enqueue_indirect_dma source(%dma_start3A_60 : memref<336x64xf32, #tpu.memory_space<hbm>>) target(%dma_start3A_54 : memref<128x64xf32, #tpu.memory_space<vmem>>) offsets(%dma_start3A_57 : memref<128xi32, #tpu.memory_space<vmem>>) semaphore(%arg13 : memref<!tpu.dma_semaphore, #tpu.memory_space<semaphore_mem>>)
    %scan3A = arith.constant 0 : i32
    %scan3A_61 = arith.constant 0 : i32
    %scan3A_62 = arith.constant 25 : i32
    %scan3A_63 = arith.addi %scan3A_61, %scan3A_62 : i32
    %scan3A_64 = arith.constant 1 : i32
    scf.for %scan3A_66 = %scan3A_61 to %scan3A_63 step %scan3A_64  : i32 {
      %mul3A_67 = arith.constant 2 : i32
      %mul3A_68 = arith.muli %scan3A_66, %mul3A_67 : i32
      %add3A_69 = arith.constant 1 : i32
      %add3A_70 = arith.addi %mul3A_68, %add3A_69 : i32
      %dma_start3A_71 = arith.constant 0 : i32
      %dma_start3A_72 = arith.constant 0 : i32
      %dma_start3A_73 = arith.constant 0 : i32
      %dma_start3A_74 = arith.constant 0 : i32
      %dma_start3A_75 = tpu.memref_slice %arg10[%dma_start3A_72, %dma_start3A_73, %dma_start3A_74] : memref<4x128x64xf32, #tpu.memory_space<vmem>> -> memref<1x128x64xf32, #tpu.memory_space<vmem>>
      %dma_start3A_76 = tpu.memref_squeeze %dma_start3A_75 : memref<1x128x64xf32, #tpu.memory_space<vmem>> -> memref<128x64xf32, #tpu.memory_space<vmem>>
      %dma_start3A_77 = arith.constant 0 : i32
      %dma_start3A_78 = tpu.memref_slice %arg8[%dma_start3A_71, %add3A_70, %dma_start3A_77] : memref<4x50x128xi32, #tpu.memory_space<vmem>> -> memref<1x1x128xi32, #tpu.memory_space<vmem>>
      %dma_start3A_79 = tpu.memref_squeeze %dma_start3A_78 : memref<1x1x128xi32, #tpu.memory_space<vmem>> -> memref<128xi32, #tpu.memory_space<vmem>>
      %dma_start3A_80 = arith.constant 0 : i32
      %dma_start3A_81 = arith.constant 0 : i32
      %dma_start3A_82 = tpu.memref_slice %arg3[%dma_start3A_80, %dma_start3A_81] : memref<2000x64xf32, #tpu.memory_space<hbm>> -> memref<2000x64xf32, #tpu.memory_space<hbm>>
      tpu.enqueue_indirect_dma source(%dma_start3A_82 : memref<2000x64xf32, #tpu.memory_space<hbm>>) target(%dma_start3A_76 : memref<128x64xf32, #tpu.memory_space<vmem>>) offsets(%dma_start3A_79 : memref<128xi32, #tpu.memory_space<vmem>>) semaphore(%arg14 : memref<!tpu.dma_semaphore, #tpu.memory_space<semaphore_mem>>)
      %dma_start3A_83 = arith.constant 1 : i32
      %dma_start3A_84 = arith.constant 1 : i32
      %dma_start3A_85 = arith.constant 0 : i32
      %dma_start3A_86 = arith.constant 0 : i32
      %dma_start3A_87 = tpu.memref_slice %arg10[%dma_start3A_84, %dma_start3A_85, %dma_start3A_86] : memref<4x128x64xf32, #tpu.memory_space<vmem>> -> memref<1x128x64xf32, #tpu.memory_space<vmem>>
      %dma_start3A_88 = tpu.memref_squeeze %dma_start3A_87 : memref<1x128x64xf32, #tpu.memory_space<vmem>> -> memref<128x64xf32, #tpu.memory_space<vmem>>
      %dma_start3A_89 = arith.constant 0 : i32
      %dma_start3A_90 = tpu.memref_slice %arg8[%dma_start3A_83, %add3A_70, %dma_start3A_89] : memref<4x50x128xi32, #tpu.memory_space<vmem>> -> memref<1x1x128xi32, #tpu.memory_space<vmem>>
      %dma_start3A_91 = tpu.memref_squeeze %dma_start3A_90 : memref<1x1x128xi32, #tpu.memory_space<vmem>> -> memref<128xi32, #tpu.memory_space<vmem>>
      %dma_start3A_92 = arith.constant 0 : i32
      %dma_start3A_93 = arith.constant 0 : i32
      %dma_start3A_94 = tpu.memref_slice %arg4[%dma_start3A_92, %dma_start3A_93] : memref<200000x64xf32, #tpu.memory_space<hbm>> -> memref<200000x64xf32, #tpu.memory_space<hbm>>
      tpu.enqueue_indirect_dma source(%dma_start3A_94 : memref<200000x64xf32, #tpu.memory_space<hbm>>) target(%dma_start3A_88 : memref<128x64xf32, #tpu.memory_space<vmem>>) offsets(%dma_start3A_91 : memref<128xi32, #tpu.memory_space<vmem>>) semaphore(%arg14 : memref<!tpu.dma_semaphore, #tpu.memory_space<semaphore_mem>>)
      %dma_start3A_95 = arith.constant 2 : i32
      %dma_start3A_96 = arith.constant 2 : i32
      %dma_start3A_97 = arith.constant 0 : i32
      %dma_start3A_98 = arith.constant 0 : i32
      %dma_start3A_99 = tpu.memref_slice %arg10[%dma_start3A_96, %dma_start3A_97, %dma_start3A_98] : memref<4x128x64xf32, #tpu.memory_space<vmem>> -> memref<1x128x64xf32, #tpu.memory_space<vmem>>
      %dma_start3A_100 = tpu.memref_squeeze %dma_start3A_99 : memref<1x128x64xf32, #tpu.memory_space<vmem>> -> memref<128x64xf32, #tpu.memory_space<vmem>>
      %dma_start3A_101 = arith.constant 0 : i32
      %dma_start3A_102 = tpu.memref_slice %arg8[%dma_start3A_95, %add3A_70, %dma_start3A_101] : memref<4x50x128xi32, #tpu.memory_space<vmem>> -> memref<1x1x128xi32, #tpu.memory_space<vmem>>
      %dma_start3A_103 = tpu.memref_squeeze %dma_start3A_102 : memref<1x1x128xi32, #tpu.memory_space<vmem>> -> memref<128xi32, #tpu.memory_space<vmem>>
      %dma_start3A_104 = arith.constant 0 : i32
      %dma_start3A_105 = arith.constant 0 : i32
      %dma_start3A_106 = tpu.memref_slice %arg5[%dma_start3A_104, %dma_start3A_105] : memref<200x64xf32, #tpu.memory_space<hbm>> -> memref<200x64xf32, #tpu.memory_space<hbm>>
      tpu.enqueue_indirect_dma source(%dma_start3A_106 : memref<200x64xf32, #tpu.memory_space<hbm>>) target(%dma_start3A_100 : memref<128x64xf32, #tpu.memory_space<vmem>>) offsets(%dma_start3A_103 : memref<128xi32, #tpu.memory_space<vmem>>) semaphore(%arg14 : memref<!tpu.dma_semaphore, #tpu.memory_space<semaphore_mem>>)
      %dma_start3A_107 = arith.constant 3 : i32
      %dma_start3A_108 = arith.constant 3 : i32
      %dma_start3A_109 = arith.constant 0 : i32
      %dma_start3A_110 = arith.constant 0 : i32
      %dma_start3A_111 = tpu.memref_slice %arg10[%dma_start3A_108, %dma_start3A_109, %dma_start3A_110] : memref<4x128x64xf32, #tpu.memory_space<vmem>> -> memref<1x128x64xf32, #tpu.memory_space<vmem>>
      %dma_start3A_112 = tpu.memref_squeeze %dma_start3A_111 : memref<1x128x64xf32, #tpu.memory_space<vmem>> -> memref<128x64xf32, #tpu.memory_space<vmem>>
      %dma_start3A_113 = arith.constant 0 : i32
      %dma_start3A_114 = tpu.memref_slice %arg8[%dma_start3A_107, %add3A_70, %dma_start3A_113] : memref<4x50x128xi32, #tpu.memory_space<vmem>> -> memref<1x1x128xi32, #tpu.memory_space<vmem>>
      %dma_start3A_115 = tpu.memref_squeeze %dma_start3A_114 : memref<1x1x128xi32, #tpu.memory_space<vmem>> -> memref<128xi32, #tpu.memory_space<vmem>>
      %dma_start3A_116 = arith.constant 0 : i32
      %dma_start3A_117 = arith.constant 0 : i32
      %dma_start3A_118 = tpu.memref_slice %arg6[%dma_start3A_116, %dma_start3A_117] : memref<336x64xf32, #tpu.memory_space<hbm>> -> memref<336x64xf32, #tpu.memory_space<hbm>>
      tpu.enqueue_indirect_dma source(%dma_start3A_118 : memref<336x64xf32, #tpu.memory_space<hbm>>) target(%dma_start3A_112 : memref<128x64xf32, #tpu.memory_space<vmem>>) offsets(%dma_start3A_115 : memref<128xi32, #tpu.memory_space<vmem>>) semaphore(%arg14 : memref<!tpu.dma_semaphore, #tpu.memory_space<semaphore_mem>>)
      %dma_wait3A = arith.constant 0 : i32
      %dma_wait3A_119 = arith.constant 0 : i32
      %dma_wait3A_120 = arith.constant 0 : i32
      %dma_wait3A_121 = arith.constant 0 : i32
      %dma_wait3A_122 = tpu.memref_slice %arg9[%dma_wait3A_119, %dma_wait3A_120, %dma_wait3A_121] : memref<4x128x64xf32, #tpu.memory_space<vmem>> -> memref<1x128x64xf32, #tpu.memory_space<vmem>>
      %dma_wait3A_123 = tpu.memref_squeeze %dma_wait3A_122 : memref<1x128x64xf32, #tpu.memory_space<vmem>> -> memref<128x64xf32, #tpu.memory_space<vmem>>
      %dma_wait3A_124 = arith.constant 0 : i32
      %dma_wait3A_125 = tpu.memref_slice %arg8[%dma_wait3A, %mul3A_68, %dma_wait3A_124] : memref<4x50x128xi32, #tpu.memory_space<vmem>> -> memref<1x1x128xi32, #tpu.memory_space<vmem>>
      %dma_wait3A_126 = tpu.memref_squeeze %dma_wait3A_125 : memref<1x1x128xi32, #tpu.memory_space<vmem>> -> memref<128xi32, #tpu.memory_space<vmem>>
      %dma_wait3A_127 = arith.constant 0 : i32
      %dma_wait3A_128 = arith.constant 0 : i32
      %dma_wait3A_129 = tpu.memref_slice %arg3[%dma_wait3A_127, %dma_wait3A_128] : memref<2000x64xf32, #tpu.memory_space<hbm>> -> memref<2000x64xf32, #tpu.memory_space<hbm>>
      tpu.wait_indirect_dma semaphore(%arg13 : memref<!tpu.dma_semaphore, #tpu.memory_space<semaphore_mem>>) src(%dma_wait3A_129 : memref<2000x64xf32, #tpu.memory_space<hbm>>) dst(%dma_wait3A_123 : memref<128x64xf32, #tpu.memory_space<vmem>>)
      %dma_wait3A_130 = arith.constant 1 : i32
      %dma_wait3A_131 = arith.constant 1 : i32
      %dma_wait3A_132 = arith.constant 0 : i32
      %dma_wait3A_133 = arith.constant 0 : i32
      %dma_wait3A_134 = tpu.memref_slice %arg9[%dma_wait3A_131, %dma_wait3A_132, %dma_wait3A_133] : memref<4x128x64xf32, #tpu.memory_space<vmem>> -> memref<1x128x64xf32, #tpu.memory_space<vmem>>
      %dma_wait3A_135 = tpu.memref_squeeze %dma_wait3A_134 : memref<1x128x64xf32, #tpu.memory_space<vmem>> -> memref<128x64xf32, #tpu.memory_space<vmem>>
      %dma_wait3A_136 = arith.constant 0 : i32
      %dma_wait3A_137 = tpu.memref_slice %arg8[%dma_wait3A_130, %mul3A_68, %dma_wait3A_136] : memref<4x50x128xi32, #tpu.memory_space<vmem>> -> memref<1x1x128xi32, #tpu.memory_space<vmem>>
      %dma_wait3A_138 = tpu.memref_squeeze %dma_wait3A_137 : memref<1x1x128xi32, #tpu.memory_space<vmem>> -> memref<128xi32, #tpu.memory_space<vmem>>
      %dma_wait3A_139 = arith.constant 0 : i32
      %dma_wait3A_140 = arith.constant 0 : i32
      %dma_wait3A_141 = tpu.memref_slice %arg4[%dma_wait3A_139, %dma_wait3A_140] : memref<200000x64xf32, #tpu.memory_space<hbm>> -> memref<200000x64xf32, #tpu.memory_space<hbm>>
      tpu.wait_indirect_dma semaphore(%arg13 : memref<!tpu.dma_semaphore, #tpu.memory_space<semaphore_mem>>) src(%dma_wait3A_141 : memref<200000x64xf32, #tpu.memory_space<hbm>>) dst(%dma_wait3A_135 : memref<128x64xf32, #tpu.memory_space<vmem>>)
      %dma_wait3A_142 = arith.constant 2 : i32
      %dma_wait3A_143 = arith.constant 2 : i32
      %dma_wait3A_144 = arith.constant 0 : i32
      %dma_wait3A_145 = arith.constant 0 : i32
      %dma_wait3A_146 = tpu.memref_slice %arg9[%dma_wait3A_143, %dma_wait3A_144, %dma_wait3A_145] : memref<4x128x64xf32, #tpu.memory_space<vmem>> -> memref<1x128x64xf32, #tpu.memory_space<vmem>>
      %dma_wait3A_147 = tpu.memref_squeeze %dma_wait3A_146 : memref<1x128x64xf32, #tpu.memory_space<vmem>> -> memref<128x64xf32, #tpu.memory_space<vmem>>
      %dma_wait3A_148 = arith.constant 0 : i32
      %dma_wait3A_149 = tpu.memref_slice %arg8[%dma_wait3A_142, %mul3A_68, %dma_wait3A_148] : memref<4x50x128xi32, #tpu.memory_space<vmem>> -> memref<1x1x128xi32, #tpu.memory_space<vmem>>
      %dma_wait3A_150 = tpu.memref_squeeze %dma_wait3A_149 : memref<1x1x128xi32, #tpu.memory_space<vmem>> -> memref<128xi32, #tpu.memory_space<vmem>>
      %dma_wait3A_151 = arith.constant 0 : i32
      %dma_wait3A_152 = arith.constant 0 : i32
      %dma_wait3A_153 = tpu.memref_slice %arg5[%dma_wait3A_151, %dma_wait3A_152] : memref<200x64xf32, #tpu.memory_space<hbm>> -> memref<200x64xf32, #tpu.memory_space<hbm>>
      tpu.wait_indirect_dma semaphore(%arg13 : memref<!tpu.dma_semaphore, #tpu.memory_space<semaphore_mem>>) src(%dma_wait3A_153 : memref<200x64xf32, #tpu.memory_space<hbm>>) dst(%dma_wait3A_147 : memref<128x64xf32, #tpu.memory_space<vmem>>)
      %dma_wait3A_154 = arith.constant 3 : i32
      %dma_wait3A_155 = arith.constant 3 : i32
      %dma_wait3A_156 = arith.constant 0 : i32
      %dma_wait3A_157 = arith.constant 0 : i32
      %dma_wait3A_158 = tpu.memref_slice %arg9[%dma_wait3A_155, %dma_wait3A_156, %dma_wait3A_157] : memref<4x128x64xf32, #tpu.memory_space<vmem>> -> memref<1x128x64xf32, #tpu.memory_space<vmem>>
      %dma_wait3A_159 = tpu.memref_squeeze %dma_wait3A_158 : memref<1x128x64xf32, #tpu.memory_space<vmem>> -> memref<128x64xf32, #tpu.memory_space<vmem>>
      %dma_wait3A_160 = arith.constant 0 : i32
      %dma_wait3A_161 = tpu.memref_slice %arg8[%dma_wait3A_154, %mul3A_68, %dma_wait3A_160] : memref<4x50x128xi32, #tpu.memory_space<vmem>> -> memref<1x1x128xi32, #tpu.memory_space<vmem>>
      %dma_wait3A_162 = tpu.memref_squeeze %dma_wait3A_161 : memref<1x1x128xi32, #tpu.memory_space<vmem>> -> memref<128xi32, #tpu.memory_space<vmem>>
      %dma_wait3A_163 = arith.constant 0 : i32
      %dma_wait3A_164 = arith.constant 0 : i32
      %dma_wait3A_165 = tpu.memref_slice %arg6[%dma_wait3A_163, %dma_wait3A_164] : memref<336x64xf32, #tpu.memory_space<hbm>> -> memref<336x64xf32, #tpu.memory_space<hbm>>
      tpu.wait_indirect_dma semaphore(%arg13 : memref<!tpu.dma_semaphore, #tpu.memory_space<semaphore_mem>>) src(%dma_wait3A_165 : memref<336x64xf32, #tpu.memory_space<hbm>>) dst(%dma_wait3A_159 : memref<128x64xf32, #tpu.memory_space<vmem>>)
      %scan3A_166 = arith.constant 0 : i32
      %scan3A_167 = arith.constant 0 : i32
      %scan3A_168 = arith.constant 512 : i32
      %scan3A_169 = arith.addi %scan3A_167, %scan3A_168 : i32
      %scan3A_170 = arith.constant 1 : i32
      scf.for %scan3A_236 = %scan3A_167 to %scan3A_169 step %scan3A_170  : i32 {
        %jit3A = arith.constant 4 : i32
        %div3A = arith.divsi %scan3A_236, %jit3A : i32
        %sign3A = arith.constant 0 : i32
        %sign3A_237 = arith.cmpi sgt, %scan3A_236, %sign3A : i32
        %sign3A_238 = arith.extui %sign3A_237 : i1 to i32
        %sign3A_239 = arith.constant 0 : i32
        %sign3A_240 = arith.cmpi slt, %scan3A_236, %sign3A_239 : i32
        %sign3A_241 = arith.extui %sign3A_240 : i1 to i32
        %sign3A_242 = arith.subi %sign3A_238, %sign3A_241 : i32
        %sign3A_243 = arith.constant 0 : i32
        %sign3A_244 = arith.cmpi sgt, %jit3A, %sign3A_243 : i32
        %sign3A_245 = arith.extui %sign3A_244 : i1 to i32
        %sign3A_246 = arith.constant 0 : i32
        %sign3A_247 = arith.cmpi slt, %jit3A, %sign3A_246 : i32
        %sign3A_248 = arith.extui %sign3A_247 : i1 to i32
        %sign3A_249 = arith.subi %sign3A_245, %sign3A_248 : i32
        %ne3A = arith.cmpi ne, %sign3A_242, %sign3A_249 : i32
        %rem3A = arith.remsi %scan3A_236, %jit3A : i32
        %ne3A_250 = arith.constant 0 : i32
        %ne3A_251 = arith.cmpi ne, %rem3A, %ne3A_250 : i32
        %and3A = arith.andi %ne3A, %ne3A_251 : i1
        %sub3A = arith.constant 1 : i32
        %sub3A_252 = arith.subi %div3A, %sub3A : i32
        %select_n3A = arith.select %and3A, %sub3A_252, %div3A : i32
        %jit3A_253 = arith.constant 4 : i32
        %eq3A = arith.constant 0 : i32
        %eq3A_254 = arith.cmpi eq, %jit3A_253, %eq3A : i32
        %jit3A_255 = arith.constant 1 : i32
        %select_n3A_256 = arith.select %eq3A_254, %jit3A_255, %jit3A_253 : i32
        %rem3A_257 = arith.remsi %scan3A_236, %select_n3A_256 : i32
        %ne3A_258 = arith.constant 0 : i32
        %ne3A_259 = arith.cmpi ne, %rem3A_257, %ne3A_258 : i32
        %lt3A_260 = arith.constant 0 : i32
        %lt3A_261 = arith.cmpi slt, %rem3A_257, %lt3A_260 : i32
        %lt3A_262 = arith.constant 0 : i32
        %lt3A_263 = arith.cmpi slt, %select_n3A_256, %lt3A_262 : i32
        %ne3A_264 = arith.xori %lt3A_261, %lt3A_263 : i1
        %and3A_265 = arith.andi %ne3A_264, %ne3A_259 : i1
        %add3A_266 = arith.addi %rem3A_257, %select_n3A_256 : i32
        %select_n3A_267 = arith.select %and3A_265, %add3A_266, %rem3A_257 : i32
        %mul3A_268 = arith.constant 16 : i32
        %mul3A_269 = arith.muli %select_n3A_267, %mul3A_268 : i32
        %multiple_of3A = tpu.assume_multiple %mul3A_269, 16 : i32
        %get3A = arith.constant 0 : i32
        %get3A_270 = arith.index_cast %get3A : i32 to index
        %get3A_271 = arith.index_cast %select_n3A : i32 to index
        %get3A_272 = arith.index_cast %multiple_of3A : i32 to index
        %get3A_273 = tpu.vector_load %arg9[%get3A_270, %get3A_271, %get3A_272] {strides = array<i32>} : memref<4x128x64xf32, #tpu.memory_space<vmem>>, vector<1x1x16xf32>,
        %get3A_274 = vector.shape_cast %get3A_273 : vector<1x1x16xf32> to vector<16xf32>
        %get3A_275 = arith.constant 1 : i32
        %get3A_276 = arith.index_cast %get3A_275 : i32 to index
        %get3A_277 = arith.index_cast %select_n3A : i32 to index
        %get3A_278 = arith.index_cast %multiple_of3A : i32 to index
        %get3A_279 = tpu.vector_load %arg9[%get3A_276, %get3A_277, %get3A_278] {strides = array<i32>} : memref<4x128x64xf32, #tpu.memory_space<vmem>>, vector<1x1x16xf32>,
        %get3A_280 = vector.shape_cast %get3A_279 : vector<1x1x16xf32> to vector<16xf32>
        %add3A_281 = arith.addf %get3A_274, %get3A_280 : vector<16xf32>
        %get3A_282 = arith.constant 2 : i32
        %get3A_283 = arith.index_cast %get3A_282 : i32 to index
        %get3A_284 = arith.index_cast %select_n3A : i32 to index
        %get3A_285 = arith.index_cast %multiple_of3A : i32 to index
        %get3A_286 = tpu.vector_load %arg9[%get3A_283, %get3A_284, %get3A_285] {strides = array<i32>} : memref<4x128x64xf32, #tpu.memory_space<vmem>>, vector<1x1x16xf32>,
        %get3A_287 = vector.shape_cast %get3A_286 : vector<1x1x16xf32> to vector<16xf32>
        %add3A_288 = arith.addf %add3A_281, %get3A_287 : vector<16xf32>
        %get3A_289 = arith.constant 3 : i32
        %get3A_290 = arith.index_cast %get3A_289 : i32 to index
        %get3A_291 = arith.index_cast %select_n3A : i32 to index
        %get3A_292 = arith.index_cast %multiple_of3A : i32 to index
        %get3A_293 = tpu.vector_load %arg9[%get3A_290, %get3A_291, %get3A_292] {strides = array<i32>} : memref<4x128x64xf32, #tpu.memory_space<vmem>>, vector<1x1x16xf32>,
        %get3A_294 = vector.shape_cast %get3A_293 : vector<1x1x16xf32> to vector<16xf32>
        %add3A_295 = arith.addf %add3A_288, %get3A_294 : vector<16xf32>
        %swap3A = arith.index_cast %select_n3A : i32 to index
        %swap3A_296 = arith.index_cast %multiple_of3A : i32 to index
        %swap3A_297 = tpu.vector_load %arg11[%swap3A, %swap3A_296] {strides = array<i32>} : memref<128x64xf32, #tpu.memory_space<vmem>>, vector<1x16xf32>,
        %swap3A_298 = vector.shape_cast %swap3A_297 : vector<1x16xf32> to vector<16xf32>
        %swap3A_299 = vector.shape_cast %add3A_295 : vector<16xf32> to vector<1x16xf32>
        tpu.vector_store %arg11[%swap3A, %swap3A_296], %swap3A_299 {strides = array<i32>} : memref<128x64xf32, #tpu.memory_space<vmem>>, vector<1x16xf32>,
      }
      %scan3A_171 = arith.constant 512 : i32
      %lt3A = arith.constant 24 : i32
      %lt3A_172 = arith.cmpi slt, %scan3A_66, %lt3A : i32
      %convert_element_type3A = arith.extui %lt3A_172 : i1 to i32
      %cond3A = arith.constant 0 : i32
      %cond3A_173 = arith.cmpi ne, %convert_element_type3A, %cond3A : i32
      scf.if %cond3A_173 {
        %add3A_236 = arith.constant 2 : i32
        %add3A_237 = arith.addi %mul3A_68, %add3A_236 : i32
        %dma_start3A_238 = arith.constant 0 : i32
        %dma_start3A_239 = arith.constant 0 : i32
        %dma_start3A_240 = arith.constant 0 : i32
        %dma_start3A_241 = arith.constant 0 : i32
        %dma_start3A_242 = tpu.memref_slice %arg9[%dma_start3A_239, %dma_start3A_240, %dma_start3A_241] : memref<4x128x64xf32, #tpu.memory_space<vmem>> -> memref<1x128x64xf32, #tpu.memory_space<vmem>>
        %dma_start3A_243 = tpu.memref_squeeze %dma_start3A_242 : memref<1x128x64xf32, #tpu.memory_space<vmem>> -> memref<128x64xf32, #tpu.memory_space<vmem>>
        %dma_start3A_244 = arith.constant 0 : i32
        %dma_start3A_245 = tpu.memref_slice %arg8[%dma_start3A_238, %add3A_237, %dma_start3A_244] : memref<4x50x128xi32, #tpu.memory_space<vmem>> -> memref<1x1x128xi32, #tpu.memory_space<vmem>>
        %dma_start3A_246 = tpu.memref_squeeze %dma_start3A_245 : memref<1x1x128xi32, #tpu.memory_space<vmem>> -> memref<128xi32, #tpu.memory_space<vmem>>
        %dma_start3A_247 = arith.constant 0 : i32
        %dma_start3A_248 = arith.constant 0 : i32
        %dma_start3A_249 = tpu.memref_slice %arg3[%dma_start3A_247, %dma_start3A_248] : memref<2000x64xf32, #tpu.memory_space<hbm>> -> memref<2000x64xf32, #tpu.memory_space<hbm>>
        tpu.enqueue_indirect_dma source(%dma_start3A_249 : memref<2000x64xf32, #tpu.memory_space<hbm>>) target(%dma_start3A_243 : memref<128x64xf32, #tpu.memory_space<vmem>>) offsets(%dma_start3A_246 : memref<128xi32, #tpu.memory_space<vmem>>) semaphore(%arg13 : memref<!tpu.dma_semaphore, #tpu.memory_space<semaphore_mem>>)
        %dma_start3A_250 = arith.constant 1 : i32
        %dma_start3A_251 = arith.constant 1 : i32
        %dma_start3A_252 = arith.constant 0 : i32
        %dma_start3A_253 = arith.constant 0 : i32
        %dma_start3A_254 = tpu.memref_slice %arg9[%dma_start3A_251, %dma_start3A_252, %dma_start3A_253] : memref<4x128x64xf32, #tpu.memory_space<vmem>> -> memref<1x128x64xf32, #tpu.memory_space<vmem>>
        %dma_start3A_255 = tpu.memref_squeeze %dma_start3A_254 : memref<1x128x64xf32, #tpu.memory_space<vmem>> -> memref<128x64xf32, #tpu.memory_space<vmem>>
        %dma_start3A_256 = arith.constant 0 : i32
        %dma_start3A_257 = tpu.memref_slice %arg8[%dma_start3A_250, %add3A_237, %dma_start3A_256] : memref<4x50x128xi32, #tpu.memory_space<vmem>> -> memref<1x1x128xi32, #tpu.memory_space<vmem>>
        %dma_start3A_258 = tpu.memref_squeeze %dma_start3A_257 : memref<1x1x128xi32, #tpu.memory_space<vmem>> -> memref<128xi32, #tpu.memory_space<vmem>>
        %dma_start3A_259 = arith.constant 0 : i32
        %dma_start3A_260 = arith.constant 0 : i32
        %dma_start3A_261 = tpu.memref_slice %arg4[%dma_start3A_259, %dma_start3A_260] : memref<200000x64xf32, #tpu.memory_space<hbm>> -> memref<200000x64xf32, #tpu.memory_space<hbm>>
        tpu.enqueue_indirect_dma source(%dma_start3A_261 : memref<200000x64xf32, #tpu.memory_space<hbm>>) target(%dma_start3A_255 : memref<128x64xf32, #tpu.memory_space<vmem>>) offsets(%dma_start3A_258 : memref<128xi32, #tpu.memory_space<vmem>>) semaphore(%arg13 : memref<!tpu.dma_semaphore, #tpu.memory_space<semaphore_mem>>)
        %dma_start3A_262 = arith.constant 2 : i32
        %dma_start3A_263 = arith.constant 2 : i32
        %dma_start3A_264 = arith.constant 0 : i32
        %dma_start3A_265 = arith.constant 0 : i32
        %dma_start3A_266 = tpu.memref_slice %arg9[%dma_start3A_263, %dma_start3A_264, %dma_start3A_265] : memref<4x128x64xf32, #tpu.memory_space<vmem>> -> memref<1x128x64xf32, #tpu.memory_space<vmem>>
        %dma_start3A_267 = tpu.memref_squeeze %dma_start3A_266 : memref<1x128x64xf32, #tpu.memory_space<vmem>> -> memref<128x64xf32, #tpu.memory_space<vmem>>
        %dma_start3A_268 = arith.constant 0 : i32
        %dma_start3A_269 = tpu.memref_slice %arg8[%dma_start3A_262, %add3A_237, %dma_start3A_268] : memref<4x50x128xi32, #tpu.memory_space<vmem>> -> memref<1x1x128xi32, #tpu.memory_space<vmem>>
        %dma_start3A_270 = tpu.memref_squeeze %dma_start3A_269 : memref<1x1x128xi32, #tpu.memory_space<vmem>> -> memref<128xi32, #tpu.memory_space<vmem>>
        %dma_start3A_271 = arith.constant 0 : i32
        %dma_start3A_272 = arith.constant 0 : i32
        %dma_start3A_273 = tpu.memref_slice %arg5[%dma_start3A_271, %dma_start3A_272] : memref<200x64xf32, #tpu.memory_space<hbm>> -> memref<200x64xf32, #tpu.memory_space<hbm>>
        tpu.enqueue_indirect_dma source(%dma_start3A_273 : memref<200x64xf32, #tpu.memory_space<hbm>>) target(%dma_start3A_267 : memref<128x64xf32, #tpu.memory_space<vmem>>) offsets(%dma_start3A_270 : memref<128xi32, #tpu.memory_space<vmem>>) semaphore(%arg13 : memref<!tpu.dma_semaphore, #tpu.memory_space<semaphore_mem>>)
        %dma_start3A_274 = arith.constant 3 : i32
        %dma_start3A_275 = arith.constant 3 : i32
        %dma_start3A_276 = arith.constant 0 : i32
        %dma_start3A_277 = arith.constant 0 : i32
        %dma_start3A_278 = tpu.memref_slice %arg9[%dma_start3A_275, %dma_start3A_276, %dma_start3A_277] : memref<4x128x64xf32, #tpu.memory_space<vmem>> -> memref<1x128x64xf32, #tpu.memory_space<vmem>>
        %dma_start3A_279 = tpu.memref_squeeze %dma_start3A_278 : memref<1x128x64xf32, #tpu.memory_space<vmem>> -> memref<128x64xf32, #tpu.memory_space<vmem>>
        %dma_start3A_280 = arith.constant 0 : i32
        %dma_start3A_281 = tpu.memref_slice %arg8[%dma_start3A_274, %add3A_237, %dma_start3A_280] : memref<4x50x128xi32, #tpu.memory_space<vmem>> -> memref<1x1x128xi32, #tpu.memory_space<vmem>>
        %dma_start3A_282 = tpu.memref_squeeze %dma_start3A_281 : memref<1x1x128xi32, #tpu.memory_space<vmem>> -> memref<128xi32, #tpu.memory_space<vmem>>
        %dma_start3A_283 = arith.constant 0 : i32
        %dma_start3A_284 = arith.constant 0 : i32
        %dma_start3A_285 = tpu.memref_slice %arg6[%dma_start3A_283, %dma_start3A_284] : memref<336x64xf32, #tpu.memory_space<hbm>> -> memref<336x64xf32, #tpu.memory_space<hbm>>
        tpu.enqueue_indirect_dma source(%dma_start3A_285 : memref<336x64xf32, #tpu.memory_space<hbm>>) target(%dma_start3A_279 : memref<128x64xf32, #tpu.memory_space<vmem>>) offsets(%dma_start3A_282 : memref<128xi32, #tpu.memory_space<vmem>>) semaphore(%arg13 : memref<!tpu.dma_semaphore, #tpu.memory_space<semaphore_mem>>)
      } else {
      }
      %mul3A_174 = arith.constant 128 : i32
      %mul3A_175 = arith.muli %mul3A_68, %mul3A_174 : i32
      %add3A_176 = arith.addi %mul3A_2, %mul3A_175 : i32
      "tpu.region"() ({
        %run_scoped3A_236 = tpu.sem_alloc : memref<!tpu.dma_semaphore, #tpu.memory_space<semaphore_mem>>
        %dma_start3A_237 = arith.constant 0 : i32
        %dma_start3A_238 = tpu.memref_slice %arg7[%add3A_176, %dma_start3A_237] : memref<204800x64xf32, #tpu.memory_space<hbm>> -> memref<128x64xf32, #tpu.memory_space<hbm>>
        %dma_start3A_239 = arith.constant 0 : i32
        %dma_start3A_240 = tpu.memref_slice %arg7[%add3A_176, %dma_start3A_239] : memref<204800x64xf32, #tpu.memory_space<hbm>> -> memref<128x64xf32, #tpu.memory_space<hbm>>
        tpu.enqueue_dma source(%arg11 : memref<128x64xf32, #tpu.memory_space<vmem>>) target(%dma_start3A_240 : memref<128x64xf32, #tpu.memory_space<hbm>>) target_semaphore(%run_scoped3A_236 : memref<!tpu.dma_semaphore, #tpu.memory_space<semaphore_mem>>)
        %dma_wait3A_241 = arith.constant 0 : i32
        %dma_wait3A_242 = tpu.memref_slice %arg7[%add3A_176, %dma_wait3A_241] : memref<204800x64xf32, #tpu.memory_space<hbm>> -> memref<128x64xf32, #tpu.memory_space<hbm>>
        %dma_wait3A_243 = arith.constant 0 : i32
        %dma_wait3A_244 = tpu.memref_slice %arg7[%add3A_176, %dma_wait3A_243] : memref<204800x64xf32, #tpu.memory_space<hbm>> -> memref<128x64xf32, #tpu.memory_space<hbm>>
        tpu.wait_dma2 semaphore(%run_scoped3A_236 : memref<!tpu.dma_semaphore, #tpu.memory_space<semaphore_mem>>) src(%arg11 : memref<128x64xf32, #tpu.memory_space<vmem>>) dst(%dma_wait3A_244 : memref<128x64xf32, #tpu.memory_space<hbm>>)
        tpu.yield
      }) : () -> ()
      %dma_wait3A_177 = arith.constant 0 : i32
      %dma_wait3A_178 = arith.constant 0 : i32
      %dma_wait3A_179 = arith.constant 0 : i32
      %dma_wait3A_180 = arith.constant 0 : i32
      %dma_wait3A_181 = tpu.memref_slice %arg10[%dma_wait3A_178, %dma_wait3A_179, %dma_wait3A_180] : memref<4x128x64xf32, #tpu.memory_space<vmem>> -> memref<1x128x64xf32, #tpu.memory_space<vmem>>
      %dma_wait3A_182 = tpu.memref_squeeze %dma_wait3A_181 : memref<1x128x64xf32, #tpu.memory_space<vmem>> -> memref<128x64xf32, #tpu.memory_space<vmem>>
      %dma_wait3A_183 = arith.constant 0 : i32
      %dma_wait3A_184 = tpu.memref_slice %arg8[%dma_wait3A_177, %add3A_70, %dma_wait3A_183] : memref<4x50x128xi32, #tpu.memory_space<vmem>> -> memref<1x1x128xi32, #tpu.memory_space<vmem>>
      %dma_wait3A_185 = tpu.memref_squeeze %dma_wait3A_184 : memref<1x1x128xi32, #tpu.memory_space<vmem>> -> memref<128xi32, #tpu.memory_space<vmem>>
      %dma_wait3A_186 = arith.constant 0 : i32
      %dma_wait3A_187 = arith.constant 0 : i32
      %dma_wait3A_188 = tpu.memref_slice %arg3[%dma_wait3A_186, %dma_wait3A_187] : memref<2000x64xf32, #tpu.memory_space<hbm>> -> memref<2000x64xf32, #tpu.memory_space<hbm>>
      tpu.wait_indirect_dma semaphore(%arg14 : memref<!tpu.dma_semaphore, #tpu.memory_space<semaphore_mem>>) src(%dma_wait3A_188 : memref<2000x64xf32, #tpu.memory_space<hbm>>) dst(%dma_wait3A_182 : memref<128x64xf32, #tpu.memory_space<vmem>>)
      %dma_wait3A_189 = arith.constant 1 : i32
      %dma_wait3A_190 = arith.constant 1 : i32
      %dma_wait3A_191 = arith.constant 0 : i32
      %dma_wait3A_192 = arith.constant 0 : i32
      %dma_wait3A_193 = tpu.memref_slice %arg10[%dma_wait3A_190, %dma_wait3A_191, %dma_wait3A_192] : memref<4x128x64xf32, #tpu.memory_space<vmem>> -> memref<1x128x64xf32, #tpu.memory_space<vmem>>
      %dma_wait3A_194 = tpu.memref_squeeze %dma_wait3A_193 : memref<1x128x64xf32, #tpu.memory_space<vmem>> -> memref<128x64xf32, #tpu.memory_space<vmem>>
      %dma_wait3A_195 = arith.constant 0 : i32
      %dma_wait3A_196 = tpu.memref_slice %arg8[%dma_wait3A_189, %add3A_70, %dma_wait3A_195] : memref<4x50x128xi32, #tpu.memory_space<vmem>> -> memref<1x1x128xi32, #tpu.memory_space<vmem>>
      %dma_wait3A_197 = tpu.memref_squeeze %dma_wait3A_196 : memref<1x1x128xi32, #tpu.memory_space<vmem>> -> memref<128xi32, #tpu.memory_space<vmem>>
      %dma_wait3A_198 = arith.constant 0 : i32
      %dma_wait3A_199 = arith.constant 0 : i32
      %dma_wait3A_200 = tpu.memref_slice %arg4[%dma_wait3A_198, %dma_wait3A_199] : memref<200000x64xf32, #tpu.memory_space<hbm>> -> memref<200000x64xf32, #tpu.memory_space<hbm>>
      tpu.wait_indirect_dma semaphore(%arg14 : memref<!tpu.dma_semaphore, #tpu.memory_space<semaphore_mem>>) src(%dma_wait3A_200 : memref<200000x64xf32, #tpu.memory_space<hbm>>) dst(%dma_wait3A_194 : memref<128x64xf32, #tpu.memory_space<vmem>>)
      %dma_wait3A_201 = arith.constant 2 : i32
      %dma_wait3A_202 = arith.constant 2 : i32
      %dma_wait3A_203 = arith.constant 0 : i32
      %dma_wait3A_204 = arith.constant 0 : i32
      %dma_wait3A_205 = tpu.memref_slice %arg10[%dma_wait3A_202, %dma_wait3A_203, %dma_wait3A_204] : memref<4x128x64xf32, #tpu.memory_space<vmem>> -> memref<1x128x64xf32, #tpu.memory_space<vmem>>
      %dma_wait3A_206 = tpu.memref_squeeze %dma_wait3A_205 : memref<1x128x64xf32, #tpu.memory_space<vmem>> -> memref<128x64xf32, #tpu.memory_space<vmem>>
      %dma_wait3A_207 = arith.constant 0 : i32
      %dma_wait3A_208 = tpu.memref_slice %arg8[%dma_wait3A_201, %add3A_70, %dma_wait3A_207] : memref<4x50x128xi32, #tpu.memory_space<vmem>> -> memref<1x1x128xi32, #tpu.memory_space<vmem>>
      %dma_wait3A_209 = tpu.memref_squeeze %dma_wait3A_208 : memref<1x1x128xi32, #tpu.memory_space<vmem>> -> memref<128xi32, #tpu.memory_space<vmem>>
      %dma_wait3A_210 = arith.constant 0 : i32
      %dma_wait3A_211 = arith.constant 0 : i32
      %dma_wait3A_212 = tpu.memref_slice %arg5[%dma_wait3A_210, %dma_wait3A_211] : memref<200x64xf32, #tpu.memory_space<hbm>> -> memref<200x64xf32, #tpu.memory_space<hbm>>
      tpu.wait_indirect_dma semaphore(%arg14 : memref<!tpu.dma_semaphore, #tpu.memory_space<semaphore_mem>>) src(%dma_wait3A_212 : memref<200x64xf32, #tpu.memory_space<hbm>>) dst(%dma_wait3A_206 : memref<128x64xf32, #tpu.memory_space<vmem>>)
      %dma_wait3A_213 = arith.constant 3 : i32
      %dma_wait3A_214 = arith.constant 3 : i32
      %dma_wait3A_215 = arith.constant 0 : i32
      %dma_wait3A_216 = arith.constant 0 : i32
      %dma_wait3A_217 = tpu.memref_slice %arg10[%dma_wait3A_214, %dma_wait3A_215, %dma_wait3A_216] : memref<4x128x64xf32, #tpu.memory_space<vmem>> -> memref<1x128x64xf32, #tpu.memory_space<vmem>>
      %dma_wait3A_218 = tpu.memref_squeeze %dma_wait3A_217 : memref<1x128x64xf32, #tpu.memory_space<vmem>> -> memref<128x64xf32, #tpu.memory_space<vmem>>
      %dma_wait3A_219 = arith.constant 0 : i32
      %dma_wait3A_220 = tpu.memref_slice %arg8[%dma_wait3A_213, %add3A_70, %dma_wait3A_219] : memref<4x50x128xi32, #tpu.memory_space<vmem>> -> memref<1x1x128xi32, #tpu.memory_space<vmem>>
      %dma_wait3A_221 = tpu.memref_squeeze %dma_wait3A_220 : memref<1x1x128xi32, #tpu.memory_space<vmem>> -> memref<128xi32, #tpu.memory_space<vmem>>
      %dma_wait3A_222 = arith.constant 0 : i32
      %dma_wait3A_223 = arith.constant 0 : i32
      %dma_wait3A_224 = tpu.memref_slice %arg6[%dma_wait3A_222, %dma_wait3A_223] : memref<336x64xf32, #tpu.memory_space<hbm>> -> memref<336x64xf32, #tpu.memory_space<hbm>>
      tpu.wait_indirect_dma semaphore(%arg14 : memref<!tpu.dma_semaphore, #tpu.memory_space<semaphore_mem>>) src(%dma_wait3A_224 : memref<336x64xf32, #tpu.memory_space<hbm>>) dst(%dma_wait3A_218 : memref<128x64xf32, #tpu.memory_space<vmem>>)
      %scan3A_225 = arith.constant 0 : i32
      %scan3A_226 = arith.constant 0 : i32
      %scan3A_227 = arith.constant 512 : i32
      %scan3A_228 = arith.addi %scan3A_226, %scan3A_227 : i32
      %scan3A_229 = arith.constant 1 : i32
      scf.for %scan3A_236 = %scan3A_226 to %scan3A_228 step %scan3A_229  : i32 {
        %jit3A = arith.constant 4 : i32
        %div3A = arith.divsi %scan3A_236, %jit3A : i32
        %sign3A = arith.constant 0 : i32
        %sign3A_237 = arith.cmpi sgt, %scan3A_236, %sign3A : i32
        %sign3A_238 = arith.extui %sign3A_237 : i1 to i32
        %sign3A_239 = arith.constant 0 : i32
        %sign3A_240 = arith.cmpi slt, %scan3A_236, %sign3A_239 : i32
        %sign3A_241 = arith.extui %sign3A_240 : i1 to i32
        %sign3A_242 = arith.subi %sign3A_238, %sign3A_241 : i32
        %sign3A_243 = arith.constant 0 : i32
        %sign3A_244 = arith.cmpi sgt, %jit3A, %sign3A_243 : i32
        %sign3A_245 = arith.extui %sign3A_244 : i1 to i32
        %sign3A_246 = arith.constant 0 : i32
        %sign3A_247 = arith.cmpi slt, %jit3A, %sign3A_246 : i32
        %sign3A_248 = arith.extui %sign3A_247 : i1 to i32
        %sign3A_249 = arith.subi %sign3A_245, %sign3A_248 : i32
        %ne3A = arith.cmpi ne, %sign3A_242, %sign3A_249 : i32
        %rem3A = arith.remsi %scan3A_236, %jit3A : i32
        %ne3A_250 = arith.constant 0 : i32
        %ne3A_251 = arith.cmpi ne, %rem3A, %ne3A_250 : i32
        %and3A = arith.andi %ne3A, %ne3A_251 : i1
        %sub3A = arith.constant 1 : i32
        %sub3A_252 = arith.subi %div3A, %sub3A : i32
        %select_n3A = arith.select %and3A, %sub3A_252, %div3A : i32
        %jit3A_253 = arith.constant 4 : i32
        %eq3A = arith.constant 0 : i32
        %eq3A_254 = arith.cmpi eq, %jit3A_253, %eq3A : i32
        %jit3A_255 = arith.constant 1 : i32
        %select_n3A_256 = arith.select %eq3A_254, %jit3A_255, %jit3A_253 : i32
        %rem3A_257 = arith.remsi %scan3A_236, %select_n3A_256 : i32
        %ne3A_258 = arith.constant 0 : i32
        %ne3A_259 = arith.cmpi ne, %rem3A_257, %ne3A_258 : i32
        %lt3A_260 = arith.constant 0 : i32
        %lt3A_261 = arith.cmpi slt, %rem3A_257, %lt3A_260 : i32
        %lt3A_262 = arith.constant 0 : i32
        %lt3A_263 = arith.cmpi slt, %select_n3A_256, %lt3A_262 : i32
        %ne3A_264 = arith.xori %lt3A_261, %lt3A_263 : i1
        %and3A_265 = arith.andi %ne3A_264, %ne3A_259 : i1
        %add3A_266 = arith.addi %rem3A_257, %select_n3A_256 : i32
        %select_n3A_267 = arith.select %and3A_265, %add3A_266, %rem3A_257 : i32
        %mul3A_268 = arith.constant 16 : i32
        %mul3A_269 = arith.muli %select_n3A_267, %mul3A_268 : i32
        %multiple_of3A = tpu.assume_multiple %mul3A_269, 16 : i32
        %get3A = arith.constant 0 : i32
        %get3A_270 = arith.index_cast %get3A : i32 to index
        %get3A_271 = arith.index_cast %select_n3A : i32 to index
        %get3A_272 = arith.index_cast %multiple_of3A : i32 to index
        %get3A_273 = tpu.vector_load %arg10[%get3A_270, %get3A_271, %get3A_272] {strides = array<i32>} : memref<4x128x64xf32, #tpu.memory_space<vmem>>, vector<1x1x16xf32>,
        %get3A_274 = vector.shape_cast %get3A_273 : vector<1x1x16xf32> to vector<16xf32>
        %get3A_275 = arith.constant 1 : i32
        %get3A_276 = arith.index_cast %get3A_275 : i32 to index
        %get3A_277 = arith.index_cast %select_n3A : i32 to index
        %get3A_278 = arith.index_cast %multiple_of3A : i32 to index
        %get3A_279 = tpu.vector_load %arg10[%get3A_276, %get3A_277, %get3A_278] {strides = array<i32>} : memref<4x128x64xf32, #tpu.memory_space<vmem>>, vector<1x1x16xf32>,
        %get3A_280 = vector.shape_cast %get3A_279 : vector<1x1x16xf32> to vector<16xf32>
        %add3A_281 = arith.addf %get3A_274, %get3A_280 : vector<16xf32>
        %get3A_282 = arith.constant 2 : i32
        %get3A_283 = arith.index_cast %get3A_282 : i32 to index
        %get3A_284 = arith.index_cast %select_n3A : i32 to index
        %get3A_285 = arith.index_cast %multiple_of3A : i32 to index
        %get3A_286 = tpu.vector_load %arg10[%get3A_283, %get3A_284, %get3A_285] {strides = array<i32>} : memref<4x128x64xf32, #tpu.memory_space<vmem>>, vector<1x1x16xf32>,
        %get3A_287 = vector.shape_cast %get3A_286 : vector<1x1x16xf32> to vector<16xf32>
        %add3A_288 = arith.addf %add3A_281, %get3A_287 : vector<16xf32>
        %get3A_289 = arith.constant 3 : i32
        %get3A_290 = arith.index_cast %get3A_289 : i32 to index
        %get3A_291 = arith.index_cast %select_n3A : i32 to index
        %get3A_292 = arith.index_cast %multiple_of3A : i32 to index
        %get3A_293 = tpu.vector_load %arg10[%get3A_290, %get3A_291, %get3A_292] {strides = array<i32>} : memref<4x128x64xf32, #tpu.memory_space<vmem>>, vector<1x1x16xf32>,
        %get3A_294 = vector.shape_cast %get3A_293 : vector<1x1x16xf32> to vector<16xf32>
        %add3A_295 = arith.addf %add3A_288, %get3A_294 : vector<16xf32>
        %swap3A = arith.index_cast %select_n3A : i32 to index
        %swap3A_296 = arith.index_cast %multiple_of3A : i32 to index
        %swap3A_297 = tpu.vector_load %arg12[%swap3A, %swap3A_296] {strides = array<i32>} : memref<128x64xf32, #tpu.memory_space<vmem>>, vector<1x16xf32>,
        %swap3A_298 = vector.shape_cast %swap3A_297 : vector<1x16xf32> to vector<16xf32>
        %swap3A_299 = vector.shape_cast %add3A_295 : vector<16xf32> to vector<1x16xf32>
        tpu.vector_store %arg12[%swap3A, %swap3A_296], %swap3A_299 {strides = array<i32>} : memref<128x64xf32, #tpu.memory_space<vmem>>, vector<1x16xf32>,
      }
      %scan3A_230 = arith.constant 512 : i32
      %add3A_231 = arith.constant 1 : i32
      %add3A_232 = arith.addi %mul3A_68, %add3A_231 : i32
      %mul3A_233 = arith.constant 128 : i32
      %mul3A_234 = arith.muli %add3A_232, %mul3A_233 : i32
      %add3A_235 = arith.addi %mul3A_2, %mul3A_234 : i32
      "tpu.region"() ({
        %run_scoped3A_236 = tpu.sem_alloc : memref<!tpu.dma_semaphore, #tpu.memory_space<semaphore_mem>>
        %dma_start3A_237 = arith.constant 0 : i32
        %dma_start3A_238 = tpu.memref_slice %arg7[%add3A_235, %dma_start3A_237] : memref<204800x64xf32, #tpu.memory_space<hbm>> -> memref<128x64xf32, #tpu.memory_space<hbm>>
        %dma_start3A_239 = arith.constant 0 : i32
        %dma_start3A_240 = tpu.memref_slice %arg7[%add3A_235, %dma_start3A_239] : memref<204800x64xf32, #tpu.memory_space<hbm>> -> memref<128x64xf32, #tpu.memory_space<hbm>>
        tpu.enqueue_dma source(%arg12 : memref<128x64xf32, #tpu.memory_space<vmem>>) target(%dma_start3A_240 : memref<128x64xf32, #tpu.memory_space<hbm>>) target_semaphore(%run_scoped3A_236 : memref<!tpu.dma_semaphore, #tpu.memory_space<semaphore_mem>>)
        %dma_wait3A_241 = arith.constant 0 : i32
        %dma_wait3A_242 = tpu.memref_slice %arg7[%add3A_235, %dma_wait3A_241] : memref<204800x64xf32, #tpu.memory_space<hbm>> -> memref<128x64xf32, #tpu.memory_space<hbm>>
        %dma_wait3A_243 = arith.constant 0 : i32
        %dma_wait3A_244 = tpu.memref_slice %arg7[%add3A_235, %dma_wait3A_243] : memref<204800x64xf32, #tpu.memory_space<hbm>> -> memref<128x64xf32, #tpu.memory_space<hbm>>
        tpu.wait_dma2 semaphore(%run_scoped3A_236 : memref<!tpu.dma_semaphore, #tpu.memory_space<semaphore_mem>>) src(%arg12 : memref<128x64xf32, #tpu.memory_space<vmem>>) dst(%dma_wait3A_244 : memref<128x64xf32, #tpu.memory_space<hbm>>)
        tpu.yield
      }) : () -> ()
    }
    %scan3A_65 = arith.constant 25 : i32
    return
  }
}

module attributes {stable_mosaic.version = 14 : i64} {
  func.func @body(%arg0: i32, %arg1: memref<64x4096xf32, #tpu.memory_space<vmem>>, %arg2: memref<64x64xf32, #tpu.memory_space<vmem>>, %arg3: memref<1x64xf32, #tpu.memory_space<vmem>>, %arg4: memref<524288xf32, #tpu.memory_space<vmem>>) attributes {dimension_semantics = [#tpu.dimension_semantics<arbitrary>], iteration_bounds = array<i64: 25>, scalar_prefetch = 0 : i64, scratch_operands = 0 : i64, tpu.core_type = #tpu.core_type<tc>, window_params = [{transform_indices = @transform_0, window_bounds = array<i64: 64, 4096>}, {pipeline_mode = #tpu.pipeline_mode<synchronous>, transform_indices = @transform_1, window_bounds = array<i64: 64, 64>}, {pipeline_mode = #tpu.pipeline_mode<synchronous>, transform_indices = @transform_2, window_bounds = array<i64: 1, 64>}, {transform_indices = @transform_3, window_bounds = array<i64: 524288>}]} {
    %get3A = arith.constant 0 : index
    %get3A_0 = arith.constant 0 : index
    %get3A_1 = vector.load %arg1[%get3A, %get3A_0] : memref<64x4096xf32, #tpu.memory_space<vmem>>, vector<64x4096xf32>
    %transpose3A = tpu.transpose %get3A_1, [1, 0] : vector<64x4096xf32> -> vector<4096x64xf32>
    %get3A_2 = arith.constant 0 : index
    %get3A_3 = arith.constant 0 : index
    %get3A_4 = vector.load %arg2[%get3A_2, %get3A_3] : memref<64x64xf32, #tpu.memory_space<vmem>>, vector<64x64xf32>
    %dot_general3A = arith.constant dense<0.000000e+00> : vector<4096x64xf32>
    %dot_general3A_5 = tpu.matmul %transpose3A, %get3A_4, %dot_general3A {dimension_numbers = #tpu.dot_dimension_numbers<[1], [0], [0], [1], [0, 0, 1, 1], [], []>, transpose_lhs_hint = false} : vector<4096x64xf32>, vector<64x64xf32>, vector<4096x64xf32> -> vector<4096x64xf32>
    %get3A_6 = arith.constant 0 : index
    %get3A_7 = arith.constant 0 : index
    %get3A_8 = vector.load %arg3[%get3A_6, %get3A_7] : memref<1x64xf32, #tpu.memory_space<vmem>>, vector<1x64xf32>
    %add3A = vector.broadcast %get3A_8 : vector<1x64xf32> to vector<4096x64xf32>
    %add3A_9 = arith.addf %dot_general3A_5, %add3A : vector<4096x64xf32>
    %broadcast_in_dim3A = arith.constant 0.000000e+00 : f32
    %broadcast_in_dim3A_10 = vector.broadcast %broadcast_in_dim3A : f32 to vector<4096x64xf32>
    %concatenate3A = tpu.concatenate %add3A_9, %broadcast_in_dim3A_10 in 1 : vector<4096x64xf32>, vector<4096x64xf32> -> vector<4096x128xf32>
    %reshape3A = vector.shape_cast %concatenate3A : vector<4096x128xf32> to vector<524288xf32>
    %swap3A = arith.constant 0 : index
    %swap3A_11 = vector.load %arg4[%swap3A] : memref<524288xf32, #tpu.memory_space<vmem>>, vector<524288xf32>
    tpu.vector_store %arg4[%swap3A], %reshape3A {strides = array<i32>} : memref<524288xf32, #tpu.memory_space<vmem>>, vector<524288xf32>,
    return
  }
  func.func @transform_0(%arg0: i32) -> (i32, i32) {
    %c0_i32 = arith.constant 0 : i32
    %c0_i32_0 = arith.constant 0 : i32
    return %c0_i32, %arg0 : i32, i32
  }
  func.func @transform_1(%arg0: i32) -> (i32, i32) {
    %c0_i32 = arith.constant 0 : i32
    %c0_i32_0 = arith.constant 0 : i32
    %c0_i32_1 = arith.constant 0 : i32
    return %c0_i32, %c0_i32_0 : i32, i32
  }
  func.func @transform_2(%arg0: i32) -> (i32, i32) {
    %c0_i32 = arith.constant 0 : i32
    %c0_i32_0 = arith.constant 0 : i32
    %c0_i32_1 = arith.constant 0 : i32
    return %c0_i32, %c0_i32_0 : i32, i32
  }
  func.func @transform_3(%arg0: i32) -> i32 {
    %c0_i32 = arith.constant 0 : i32
    return %arg0 : i32
  }
}

module attributes {stable_mosaic.version = 14 : i64} {
  func.func @body(%arg0: i32, %arg1: memref<64x100xf32, #tpu.memory_space<vmem>>, %arg2: memref<64x64xf32, #tpu.memory_space<vmem>>, %arg3: memref<1x64xf32, #tpu.memory_space<vmem>>, %arg4: memref<12800xf32, #tpu.memory_space<vmem>>) attributes {dimension_semantics = [#tpu.dimension_semantics<arbitrary>], iteration_bounds = array<i64: 1>, scalar_prefetch = 0 : i64, scratch_operands = 0 : i64, tpu.core_type = #tpu.core_type<tc>, window_params = [{transform_indices = @transform_0, window_bounds = array<i64: 64, 100>}, {pipeline_mode = #tpu.pipeline_mode<synchronous>, transform_indices = @transform_1, window_bounds = array<i64: 64, 64>}, {pipeline_mode = #tpu.pipeline_mode<synchronous>, transform_indices = @transform_2, window_bounds = array<i64: 1, 64>}, {transform_indices = @transform_3, window_bounds = array<i64: 12800>}]} {
    %get3A = arith.constant 0 : index
    %get3A_0 = arith.constant 0 : index
    %get3A_1 = vector.load %arg1[%get3A, %get3A_0] : memref<64x100xf32, #tpu.memory_space<vmem>>, vector<64x100xf32>
    %transpose3A = tpu.transpose %get3A_1, [1, 0] : vector<64x100xf32> -> vector<100x64xf32>
    %get3A_2 = arith.constant 0 : index
    %get3A_3 = arith.constant 0 : index
    %get3A_4 = vector.load %arg2[%get3A_2, %get3A_3] : memref<64x64xf32, #tpu.memory_space<vmem>>, vector<64x64xf32>
    %dot_general3A = arith.constant dense<0.000000e+00> : vector<100x64xf32>
    %dot_general3A_5 = tpu.matmul %transpose3A, %get3A_4, %dot_general3A {dimension_numbers = #tpu.dot_dimension_numbers<[1], [0], [0], [1], [0, 0, 1, 1], [], []>, transpose_lhs_hint = false} : vector<100x64xf32>, vector<64x64xf32>, vector<100x64xf32> -> vector<100x64xf32>
    %get3A_6 = arith.constant 0 : index
    %get3A_7 = arith.constant 0 : index
    %get3A_8 = vector.load %arg3[%get3A_6, %get3A_7] : memref<1x64xf32, #tpu.memory_space<vmem>>, vector<1x64xf32>
    %add3A = vector.broadcast %get3A_8 : vector<1x64xf32> to vector<100x64xf32>
    %add3A_9 = arith.addf %dot_general3A_5, %add3A : vector<100x64xf32>
    %broadcast_in_dim3A = arith.constant 0.000000e+00 : f32
    %broadcast_in_dim3A_10 = vector.broadcast %broadcast_in_dim3A : f32 to vector<100x64xf32>
    %concatenate3A = tpu.concatenate %add3A_9, %broadcast_in_dim3A_10 in 1 : vector<100x64xf32>, vector<100x64xf32> -> vector<100x128xf32>
    %reshape3A = vector.shape_cast %concatenate3A : vector<100x128xf32> to vector<12800xf32>
    %swap3A = arith.constant 0 : index
    %swap3A_11 = vector.load %arg4[%swap3A] : memref<12800xf32, #tpu.memory_space<vmem>>, vector<12800xf32>
    tpu.vector_store %arg4[%swap3A], %reshape3A {strides = array<i32>} : memref<12800xf32, #tpu.memory_space<vmem>>, vector<12800xf32>,
    return
  }
  func.func @transform_0(%arg0: i32) -> (i32, i32) {
    %c0_i32 = arith.constant 0 : i32
    %c0_i32_0 = arith.constant 0 : i32
    return %c0_i32, %arg0 : i32, i32
  }
  func.func @transform_1(%arg0: i32) -> (i32, i32) {
    %c0_i32 = arith.constant 0 : i32
    %c0_i32_0 = arith.constant 0 : i32
    %c0_i32_1 = arith.constant 0 : i32
    return %c0_i32, %c0_i32_0 : i32, i32
  }
  func.func @transform_2(%arg0: i32) -> (i32, i32) {
    %c0_i32 = arith.constant 0 : i32
    %c0_i32_0 = arith.constant 0 : i32
    %c0_i32_1 = arith.constant 0 : i32
    return %c0_i32, %c0_i32_0 : i32, i32
  }
  func.func @transform_3(%arg0: i32) -> i32 {
    %c0_i32 = arith.constant 0 : i32
    return %arg0 : i32
  }
}

module attributes {stable_mosaic.version = 14 : i64} {
  func.func @body(%arg0: i32, %arg1: memref<64x168xf32, #tpu.memory_space<vmem>>, %arg2: memref<64x64xf32, #tpu.memory_space<vmem>>, %arg3: memref<1x64xf32, #tpu.memory_space<vmem>>, %arg4: memref<21504xf32, #tpu.memory_space<vmem>>) attributes {dimension_semantics = [#tpu.dimension_semantics<arbitrary>], iteration_bounds = array<i64: 1>, scalar_prefetch = 0 : i64, scratch_operands = 0 : i64, tpu.core_type = #tpu.core_type<tc>, window_params = [{transform_indices = @transform_0, window_bounds = array<i64: 64, 168>}, {pipeline_mode = #tpu.pipeline_mode<synchronous>, transform_indices = @transform_1, window_bounds = array<i64: 64, 64>}, {pipeline_mode = #tpu.pipeline_mode<synchronous>, transform_indices = @transform_2, window_bounds = array<i64: 1, 64>}, {transform_indices = @transform_3, window_bounds = array<i64: 21504>}]} {
    %get3A = arith.constant 0 : index
    %get3A_0 = arith.constant 0 : index
    %get3A_1 = vector.load %arg1[%get3A, %get3A_0] : memref<64x168xf32, #tpu.memory_space<vmem>>, vector<64x168xf32>
    %transpose3A = tpu.transpose %get3A_1, [1, 0] : vector<64x168xf32> -> vector<168x64xf32>
    %get3A_2 = arith.constant 0 : index
    %get3A_3 = arith.constant 0 : index
    %get3A_4 = vector.load %arg2[%get3A_2, %get3A_3] : memref<64x64xf32, #tpu.memory_space<vmem>>, vector<64x64xf32>
    %dot_general3A = arith.constant dense<0.000000e+00> : vector<168x64xf32>
    %dot_general3A_5 = tpu.matmul %transpose3A, %get3A_4, %dot_general3A {dimension_numbers = #tpu.dot_dimension_numbers<[1], [0], [0], [1], [0, 0, 1, 1], [], []>, transpose_lhs_hint = false} : vector<168x64xf32>, vector<64x64xf32>, vector<168x64xf32> -> vector<168x64xf32>
    %get3A_6 = arith.constant 0 : index
    %get3A_7 = arith.constant 0 : index
    %get3A_8 = vector.load %arg3[%get3A_6, %get3A_7] : memref<1x64xf32, #tpu.memory_space<vmem>>, vector<1x64xf32>
    %add3A = vector.broadcast %get3A_8 : vector<1x64xf32> to vector<168x64xf32>
    %add3A_9 = arith.addf %dot_general3A_5, %add3A : vector<168x64xf32>
    %broadcast_in_dim3A = arith.constant 0.000000e+00 : f32
    %broadcast_in_dim3A_10 = vector.broadcast %broadcast_in_dim3A : f32 to vector<168x64xf32>
    %concatenate3A = tpu.concatenate %add3A_9, %broadcast_in_dim3A_10 in 1 : vector<168x64xf32>, vector<168x64xf32> -> vector<168x128xf32>
    %reshape3A = vector.shape_cast %concatenate3A : vector<168x128xf32> to vector<21504xf32>
    %swap3A = arith.constant 0 : index
    %swap3A_11 = vector.load %arg4[%swap3A] : memref<21504xf32, #tpu.memory_space<vmem>>, vector<21504xf32>
    tpu.vector_store %arg4[%swap3A], %reshape3A {strides = array<i32>} : memref<21504xf32, #tpu.memory_space<vmem>>, vector<21504xf32>,
    return
  }
  func.func @transform_0(%arg0: i32) -> (i32, i32) {
    %c0_i32 = arith.constant 0 : i32
    %c0_i32_0 = arith.constant 0 : i32
    return %c0_i32, %arg0 : i32, i32
  }
  func.func @transform_1(%arg0: i32) -> (i32, i32) {
    %c0_i32 = arith.constant 0 : i32
    %c0_i32_0 = arith.constant 0 : i32
    %c0_i32_1 = arith.constant 0 : i32
    return %c0_i32, %c0_i32_0 : i32, i32
  }
  func.func @transform_2(%arg0: i32) -> (i32, i32) {
    %c0_i32 = arith.constant 0 : i32
    %c0_i32_0 = arith.constant 0 : i32
    %c0_i32_1 = arith.constant 0 : i32
    return %c0_i32, %c0_i32_0 : i32, i32
  }
  func.func @transform_3(%arg0: i32) -> i32 {
    %c0_i32 = arith.constant 0 : i32
    return %arg0 : i32
  }
}

module attributes {stable_mosaic.version = 14 : i64} {
  func.func @body(%arg0: i32, %arg1: memref<64x16384xf32, #tpu.memory_space<vmem>>, %arg2: memref<64x64xf32, #tpu.memory_space<vmem>>, %arg3: memref<1x64xf32, #tpu.memory_space<vmem>>, %arg4: memref<2097152xf32, #tpu.memory_space<vmem>>) attributes {dimension_semantics = [#tpu.dimension_semantics<arbitrary>], iteration_bounds = array<i64: 62>, scalar_prefetch = 0 : i64, scratch_operands = 0 : i64, tpu.core_type = #tpu.core_type<tc>, window_params = [{transform_indices = @transform_0, window_bounds = array<i64: 64, 16384>}, {pipeline_mode = #tpu.pipeline_mode<synchronous>, transform_indices = @transform_1, window_bounds = array<i64: 64, 64>}, {pipeline_mode = #tpu.pipeline_mode<synchronous>, transform_indices = @transform_2, window_bounds = array<i64: 1, 64>}, {transform_indices = @transform_3, window_bounds = array<i64: 2097152>}]} {
    %get3A = arith.constant 0 : index
    %get3A_0 = arith.constant 0 : index
    %get3A_1 = vector.load %arg1[%get3A, %get3A_0] : memref<64x16384xf32, #tpu.memory_space<vmem>>, vector<64x16384xf32>
    %transpose3A = tpu.transpose %get3A_1, [1, 0] : vector<64x16384xf32> -> vector<16384x64xf32>
    %get3A_2 = arith.constant 0 : index
    %get3A_3 = arith.constant 0 : index
    %get3A_4 = vector.load %arg2[%get3A_2, %get3A_3] : memref<64x64xf32, #tpu.memory_space<vmem>>, vector<64x64xf32>
    %dot_general3A = arith.constant dense<0.000000e+00> : vector<16384x64xf32>
    %dot_general3A_5 = tpu.matmul %transpose3A, %get3A_4, %dot_general3A {dimension_numbers = #tpu.dot_dimension_numbers<[1], [0], [0], [1], [0, 0, 1, 1], [], []>, transpose_lhs_hint = false} : vector<16384x64xf32>, vector<64x64xf32>, vector<16384x64xf32> -> vector<16384x64xf32>
    %get3A_6 = arith.constant 0 : index
    %get3A_7 = arith.constant 0 : index
    %get3A_8 = vector.load %arg3[%get3A_6, %get3A_7] : memref<1x64xf32, #tpu.memory_space<vmem>>, vector<1x64xf32>
    %add3A = vector.broadcast %get3A_8 : vector<1x64xf32> to vector<16384x64xf32>
    %add3A_9 = arith.addf %dot_general3A_5, %add3A : vector<16384x64xf32>
    %broadcast_in_dim3A = arith.constant 0.000000e+00 : f32
    %broadcast_in_dim3A_10 = vector.broadcast %broadcast_in_dim3A : f32 to vector<16384x64xf32>
    %concatenate3A = tpu.concatenate %add3A_9, %broadcast_in_dim3A_10 in 1 : vector<16384x64xf32>, vector<16384x64xf32> -> vector<16384x128xf32>
    %reshape3A = vector.shape_cast %concatenate3A : vector<16384x128xf32> to vector<2097152xf32>
    %swap3A = arith.constant 0 : index
    %swap3A_11 = vector.load %arg4[%swap3A] : memref<2097152xf32, #tpu.memory_space<vmem>>, vector<2097152xf32>
    tpu.vector_store %arg4[%swap3A], %reshape3A {strides = array<i32>} : memref<2097152xf32, #tpu.memory_space<vmem>>, vector<2097152xf32>,
    return
  }
  func.func @transform_0(%arg0: i32) -> (i32, i32) {
    %c0_i32 = arith.constant 0 : i32
    %c0_i32_0 = arith.constant 0 : i32
    return %c0_i32, %arg0 : i32, i32
  }
  func.func @transform_1(%arg0: i32) -> (i32, i32) {
    %c0_i32 = arith.constant 0 : i32
    %c0_i32_0 = arith.constant 0 : i32
    %c0_i32_1 = arith.constant 0 : i32
    return %c0_i32, %c0_i32_0 : i32, i32
  }
  func.func @transform_2(%arg0: i32) -> (i32, i32) {
    %c0_i32 = arith.constant 0 : i32
    %c0_i32_0 = arith.constant 0 : i32
    %c0_i32_1 = arith.constant 0 : i32
    return %c0_i32, %c0_i32_0 : i32, i32
  }
  func.func @transform_3(%arg0: i32) -> i32 {
    %c0_i32 = arith.constant 0 : i32
    return %arg0 : i32
  }
}

module attributes {stable_mosaic.version = 14 : i64} {
  func.func @body(%arg0: i32, %arg1: memref<64x1000xf32, #tpu.memory_space<vmem>>, %arg2: memref<64x64xf32, #tpu.memory_space<vmem>>, %arg3: memref<1x64xf32, #tpu.memory_space<vmem>>, %arg4: memref<128000xf32, #tpu.memory_space<vmem>>) attributes {dimension_semantics = [#tpu.dimension_semantics<arbitrary>], iteration_bounds = array<i64: 1>, scalar_prefetch = 0 : i64, scratch_operands = 0 : i64, tpu.core_type = #tpu.core_type<tc>, window_params = [{transform_indices = @transform_0, window_bounds = array<i64: 64, 1000>}, {pipeline_mode = #tpu.pipeline_mode<synchronous>, transform_indices = @transform_1, window_bounds = array<i64: 64, 64>}, {pipeline_mode = #tpu.pipeline_mode<synchronous>, transform_indices = @transform_2, window_bounds = array<i64: 1, 64>}, {transform_indices = @transform_3, window_bounds = array<i64: 128000>}]} {
    %get3A = arith.constant 0 : index
    %get3A_0 = arith.constant 0 : index
    %get3A_1 = vector.load %arg1[%get3A, %get3A_0] : memref<64x1000xf32, #tpu.memory_space<vmem>>, vector<64x1000xf32>
    %transpose3A = tpu.transpose %get3A_1, [1, 0] : vector<64x1000xf32> -> vector<1000x64xf32>
    %get3A_2 = arith.constant 0 : index
    %get3A_3 = arith.constant 0 : index
    %get3A_4 = vector.load %arg2[%get3A_2, %get3A_3] : memref<64x64xf32, #tpu.memory_space<vmem>>, vector<64x64xf32>
    %dot_general3A = arith.constant dense<0.000000e+00> : vector<1000x64xf32>
    %dot_general3A_5 = tpu.matmul %transpose3A, %get3A_4, %dot_general3A {dimension_numbers = #tpu.dot_dimension_numbers<[1], [0], [0], [1], [0, 0, 1, 1], [], []>, transpose_lhs_hint = false} : vector<1000x64xf32>, vector<64x64xf32>, vector<1000x64xf32> -> vector<1000x64xf32>
    %get3A_6 = arith.constant 0 : index
    %get3A_7 = arith.constant 0 : index
    %get3A_8 = vector.load %arg3[%get3A_6, %get3A_7] : memref<1x64xf32, #tpu.memory_space<vmem>>, vector<1x64xf32>
    %add3A = vector.broadcast %get3A_8 : vector<1x64xf32> to vector<1000x64xf32>
    %add3A_9 = arith.addf %dot_general3A_5, %add3A : vector<1000x64xf32>
    %broadcast_in_dim3A = arith.constant 0.000000e+00 : f32
    %broadcast_in_dim3A_10 = vector.broadcast %broadcast_in_dim3A : f32 to vector<1000x64xf32>
    %concatenate3A = tpu.concatenate %add3A_9, %broadcast_in_dim3A_10 in 1 : vector<1000x64xf32>, vector<1000x64xf32> -> vector<1000x128xf32>
    %reshape3A = vector.shape_cast %concatenate3A : vector<1000x128xf32> to vector<128000xf32>
    %swap3A = arith.constant 0 : index
    %swap3A_11 = vector.load %arg4[%swap3A] : memref<128000xf32, #tpu.memory_space<vmem>>, vector<128000xf32>
    tpu.vector_store %arg4[%swap3A], %reshape3A {strides = array<i32>} : memref<128000xf32, #tpu.memory_space<vmem>>, vector<128000xf32>,
    return
  }
  func.func @transform_0(%arg0: i32) -> (i32, i32) {
    %c0_i32 = arith.constant 0 : i32
    %c0_i32_0 = arith.constant 0 : i32
    return %c0_i32, %arg0 : i32, i32
  }
  func.func @transform_1(%arg0: i32) -> (i32, i32) {
    %c0_i32 = arith.constant 0 : i32
    %c0_i32_0 = arith.constant 0 : i32
    %c0_i32_1 = arith.constant 0 : i32
    return %c0_i32, %c0_i32_0 : i32, i32
  }
  func.func @transform_2(%arg0: i32) -> (i32, i32) {
    %c0_i32 = arith.constant 0 : i32
    %c0_i32_0 = arith.constant 0 : i32
    %c0_i32_1 = arith.constant 0 : i32
    return %c0_i32, %c0_i32_0 : i32, i32
  }
  func.func @transform_3(%arg0: i32) -> i32 {
    %c0_i32 = arith.constant 0 : i32
    return %arg0 : i32
  }
}

module attributes {stable_mosaic.version = 14 : i64} {
  func.func @body(%arg0: i32, %arg1: memref<4096x128xf32, #tpu.memory_space<vmem>>, %arg2: memref<4096x128xf32, #tpu.memory_space<vmem>>, %arg3: memref<64x64xf32, #tpu.memory_space<vmem>>, %arg4: memref<1x64xf32, #tpu.memory_space<vmem>>, %arg5: memref<1x64xf32, #tpu.memory_space<vmem>>, %arg6: memref<1x64xf32, #tpu.memory_space<vmem>>, %arg7: memref<8192x64xf32, #tpu.memory_space<vmem>>) attributes {dimension_semantics = [#tpu.dimension_semantics<arbitrary>], iteration_bounds = array<i64: 25>, scalar_prefetch = 0 : i64, scratch_operands = 0 : i64, tpu.core_type = #tpu.core_type<tc>, window_params = [{transform_indices = @transform_0, window_bounds = array<i64: 4096, 128>}, {transform_indices = @transform_1, window_bounds = array<i64: 4096, 128>}, {pipeline_mode = #tpu.pipeline_mode<synchronous>, transform_indices = @transform_2, window_bounds = array<i64: 64, 64>}, {pipeline_mode = #tpu.pipeline_mode<synchronous>, transform_indices = @transform_3, window_bounds = array<i64: 1, 64>}, {pipeline_mode = #tpu.pipeline_mode<synchronous>, transform_indices = @transform_4, window_bounds = array<i64: 1, 64>}, {pipeline_mode = #tpu.pipeline_mode<synchronous>, transform_indices = @transform_5, window_bounds = array<i64: 1, 64>}, {transform_indices = @transform_6, window_bounds = array<i64: 8192, 64>}]} {
    %get3A = arith.constant 0 : index
    %get3A_0 = arith.constant 0 : index
    %get3A_1 = vector.load %arg1[%get3A, %get3A_0] : memref<4096x128xf32, #tpu.memory_space<vmem>>, vector<4096x128xf32>
    %get3A_2 = arith.constant 0 : index
    %get3A_3 = arith.constant 0 : index
    %get3A_4 = vector.load %arg2[%get3A_2, %get3A_3] : memref<4096x128xf32, #tpu.memory_space<vmem>>, vector<4096x128xf32>
    %add3A = arith.addf %get3A_1, %get3A_4 : vector<4096x128xf32>
    %max3A = arith.constant 0.000000e+00 : f32
    %max3A_5 = vector.broadcast %max3A : f32 to vector<4096x128xf32>
    %max3A_6 = arith.maximumf %add3A, %max3A_5 : vector<4096x128xf32>
    %get3A_7 = arith.constant 0 : index
    %get3A_8 = arith.constant 0 : index
    %get3A_9 = vector.load %arg3[%get3A_7, %get3A_8] : memref<64x64xf32, #tpu.memory_space<vmem>>, vector<64x64xf32>
    %get3A_10 = arith.constant 0 : index
    %get3A_11 = arith.constant 0 : index
    %get3A_12 = vector.load %arg4[%get3A_10, %get3A_11] : memref<1x64xf32, #tpu.memory_space<vmem>>, vector<1x64xf32>
    %get3A_13 = arith.constant 0 : index
    %get3A_14 = arith.constant 0 : index
    %get3A_15 = vector.load %arg5[%get3A_13, %get3A_14] : memref<1x64xf32, #tpu.memory_space<vmem>>, vector<1x64xf32>
    %get3A_16 = arith.constant 0 : index
    %get3A_17 = arith.constant 0 : index
    %get3A_18 = vector.load %arg6[%get3A_16, %get3A_17] : memref<1x64xf32, #tpu.memory_space<vmem>>, vector<1x64xf32>
    %slice3A = vector.extract_strided_slice %max3A_6 {offsets = [0, 0], sizes = [4096, 64], strides = [1, 1]} : vector<4096x128xf32> to vector<4096x64xf32>
    %dot_general3A = arith.constant dense<0.000000e+00> : vector<4096x64xf32>
    %dot_general3A_19 = tpu.matmul %slice3A, %get3A_9, %dot_general3A {dimension_numbers = #tpu.dot_dimension_numbers<[1], [0], [0], [1], [0, 0, 1, 1], [], []>, transpose_lhs_hint = false} : vector<4096x64xf32>, vector<64x64xf32>, vector<4096x64xf32> -> vector<4096x64xf32>
    %add3A_20 = vector.broadcast %get3A_12 : vector<1x64xf32> to vector<4096x64xf32>
    %add3A_21 = arith.addf %dot_general3A_19, %add3A_20 : vector<4096x64xf32>
    %reduce_sum3A = arith.constant dense<0.000000e+00> : vector<4096xf32>
    %reduce_sum3A_22 = vector.multi_reduction <add>, %add3A_21, %reduce_sum3A [1] : vector<4096x64xf32> to vector<4096xf32>
    %broadcast_in_dim3A = vector.shape_cast %reduce_sum3A_22 : vector<4096xf32> to vector<4096x1xf32>
    %div3A = arith.constant 6.400000e+01 : f32
    %div3A_23 = vector.broadcast %div3A : f32 to vector<4096x1xf32>
    %div3A_24 = arith.divf %broadcast_in_dim3A, %div3A_23 : vector<4096x1xf32>
    %sub3A = vector.broadcast %div3A_24 : vector<4096x1xf32> to vector<4096x64xf32>
    %sub3A_25 = arith.subf %add3A_21, %sub3A : vector<4096x64xf32>
    %integer_pow3A = arith.mulf %sub3A_25, %sub3A_25 : vector<4096x64xf32>
    %reduce_sum3A_26 = arith.constant dense<0.000000e+00> : vector<4096xf32>
    %reduce_sum3A_27 = vector.multi_reduction <add>, %integer_pow3A, %reduce_sum3A_26 [1] : vector<4096x64xf32> to vector<4096xf32>
    %broadcast_in_dim3A_28 = vector.shape_cast %reduce_sum3A_27 : vector<4096xf32> to vector<4096x1xf32>
    %div3A_29 = arith.constant 6.400000e+01 : f32
    %div3A_30 = vector.broadcast %div3A_29 : f32 to vector<4096x1xf32>
    %div3A_31 = arith.divf %broadcast_in_dim3A_28, %div3A_30 : vector<4096x1xf32>
    %sub3A_32 = vector.broadcast %div3A_24 : vector<4096x1xf32> to vector<4096x64xf32>
    %sub3A_33 = arith.subf %add3A_21, %sub3A_32 : vector<4096x64xf32>
    %add3A_34 = arith.constant 1.000000e-03 : f32
    %add3A_35 = vector.broadcast %add3A_34 : f32 to vector<4096x1xf32>
    %add3A_36 = arith.addf %div3A_31, %add3A_35 : vector<4096x1xf32>
    %sqrt3A = math.sqrt %add3A_36 : vector<4096x1xf32>
    %div3A_37 = vector.broadcast %sqrt3A : vector<4096x1xf32> to vector<4096x64xf32>
    %div3A_38 = arith.divf %sub3A_33, %div3A_37 : vector<4096x64xf32>
    %mul3A = vector.broadcast %get3A_15 : vector<1x64xf32> to vector<4096x64xf32>
    %mul3A_39 = arith.mulf %div3A_38, %mul3A : vector<4096x64xf32>
    %add3A_40 = vector.broadcast %get3A_18 : vector<1x64xf32> to vector<4096x64xf32>
    %add3A_41 = arith.addf %mul3A_39, %add3A_40 : vector<4096x64xf32>
    %slice3A_42 = vector.extract_strided_slice %max3A_6 {offsets = [0, 64], sizes = [4096, 64], strides = [1, 1]} : vector<4096x128xf32> to vector<4096x64xf32>
    %dot_general3A_43 = arith.constant dense<0.000000e+00> : vector<4096x64xf32>
    %dot_general3A_44 = tpu.matmul %slice3A_42, %get3A_9, %dot_general3A_43 {dimension_numbers = #tpu.dot_dimension_numbers<[1], [0], [0], [1], [0, 0, 1, 1], [], []>, transpose_lhs_hint = false} : vector<4096x64xf32>, vector<64x64xf32>, vector<4096x64xf32> -> vector<4096x64xf32>
    %add3A_45 = vector.broadcast %get3A_12 : vector<1x64xf32> to vector<4096x64xf32>
    %add3A_46 = arith.addf %dot_general3A_44, %add3A_45 : vector<4096x64xf32>
    %reduce_sum3A_47 = arith.constant dense<0.000000e+00> : vector<4096xf32>
    %reduce_sum3A_48 = vector.multi_reduction <add>, %add3A_46, %reduce_sum3A_47 [1] : vector<4096x64xf32> to vector<4096xf32>
    %broadcast_in_dim3A_49 = vector.shape_cast %reduce_sum3A_48 : vector<4096xf32> to vector<4096x1xf32>
    %div3A_50 = arith.constant 6.400000e+01 : f32
    %div3A_51 = vector.broadcast %div3A_50 : f32 to vector<4096x1xf32>
    %div3A_52 = arith.divf %broadcast_in_dim3A_49, %div3A_51 : vector<4096x1xf32>
    %sub3A_53 = vector.broadcast %div3A_52 : vector<4096x1xf32> to vector<4096x64xf32>
    %sub3A_54 = arith.subf %add3A_46, %sub3A_53 : vector<4096x64xf32>
    %integer_pow3A_55 = arith.mulf %sub3A_54, %sub3A_54 : vector<4096x64xf32>
    %reduce_sum3A_56 = arith.constant dense<0.000000e+00> : vector<4096xf32>
    %reduce_sum3A_57 = vector.multi_reduction <add>, %integer_pow3A_55, %reduce_sum3A_56 [1] : vector<4096x64xf32> to vector<4096xf32>
    %broadcast_in_dim3A_58 = vector.shape_cast %reduce_sum3A_57 : vector<4096xf32> to vector<4096x1xf32>
    %div3A_59 = arith.constant 6.400000e+01 : f32
    %div3A_60 = vector.broadcast %div3A_59 : f32 to vector<4096x1xf32>
    %div3A_61 = arith.divf %broadcast_in_dim3A_58, %div3A_60 : vector<4096x1xf32>
    %sub3A_62 = vector.broadcast %div3A_52 : vector<4096x1xf32> to vector<4096x64xf32>
    %sub3A_63 = arith.subf %add3A_46, %sub3A_62 : vector<4096x64xf32>
    %add3A_64 = arith.constant 1.000000e-03 : f32
    %add3A_65 = vector.broadcast %add3A_64 : f32 to vector<4096x1xf32>
    %add3A_66 = arith.addf %div3A_61, %add3A_65 : vector<4096x1xf32>
    %sqrt3A_67 = math.sqrt %add3A_66 : vector<4096x1xf32>
    %div3A_68 = vector.broadcast %sqrt3A_67 : vector<4096x1xf32> to vector<4096x64xf32>
    %div3A_69 = arith.divf %sub3A_63, %div3A_68 : vector<4096x64xf32>
    %mul3A_70 = vector.broadcast %get3A_15 : vector<1x64xf32> to vector<4096x64xf32>
    %mul3A_71 = arith.mulf %div3A_69, %mul3A_70 : vector<4096x64xf32>
    %add3A_72 = vector.broadcast %get3A_18 : vector<1x64xf32> to vector<4096x64xf32>
    %add3A_73 = arith.addf %mul3A_71, %add3A_72 : vector<4096x64xf32>
    %stack3A = vector.shape_cast %add3A_41 : vector<4096x64xf32> to vector<4096x1x64xf32>
    %stack3A_74 = vector.shape_cast %add3A_73 : vector<4096x64xf32> to vector<4096x1x64xf32>
    %stack3A_75 = tpu.concatenate %stack3A, %stack3A_74 in 1 : vector<4096x1x64xf32>, vector<4096x1x64xf32> -> vector<4096x2x64xf32>
    %reshape3A = vector.shape_cast %stack3A_75 : vector<4096x2x64xf32> to vector<8192x64xf32>
    %swap3A = arith.constant 0 : index
    %swap3A_76 = arith.constant 0 : index
    %swap3A_77 = vector.load %arg7[%swap3A, %swap3A_76] : memref<8192x64xf32, #tpu.memory_space<vmem>>, vector<8192x64xf32>
    tpu.vector_store %arg7[%swap3A, %swap3A_76], %reshape3A {strides = array<i32>} : memref<8192x64xf32, #tpu.memory_space<vmem>>, vector<8192x64xf32>,
    return
  }
  func.func @transform_0(%arg0: i32) -> (i32, i32) {
    %c0_i32 = arith.constant 0 : i32
    %c0_i32_0 = arith.constant 0 : i32
    return %arg0, %c0_i32 : i32, i32
  }
  func.func @transform_1(%arg0: i32) -> (i32, i32) {
    %c0_i32 = arith.constant 0 : i32
    %c0_i32_0 = arith.constant 0 : i32
    return %arg0, %c0_i32 : i32, i32
  }
  func.func @transform_2(%arg0: i32) -> (i32, i32) {
    %c0_i32 = arith.constant 0 : i32
    %c0_i32_0 = arith.constant 0 : i32
    %c0_i32_1 = arith.constant 0 : i32
    return %c0_i32, %c0_i32_0 : i32, i32
  }
  func.func @transform_3(%arg0: i32) -> (i32, i32) {
    %c0_i32 = arith.constant 0 : i32
    %c0_i32_0 = arith.constant 0 : i32
    %c0_i32_1 = arith.constant 0 : i32
    return %c0_i32, %c0_i32_0 : i32, i32
  }
  func.func @transform_4(%arg0: i32) -> (i32, i32) {
    %c0_i32 = arith.constant 0 : i32
    %c0_i32_0 = arith.constant 0 : i32
    %c0_i32_1 = arith.constant 0 : i32
    return %c0_i32, %c0_i32_0 : i32, i32
  }
  func.func @transform_5(%arg0: i32) -> (i32, i32) {
    %c0_i32 = arith.constant 0 : i32
    %c0_i32_0 = arith.constant 0 : i32
    %c0_i32_1 = arith.constant 0 : i32
    return %c0_i32, %c0_i32_0 : i32, i32
  }
  func.func @transform_6(%arg0: i32) -> (i32, i32) {
    %c0_i32 = arith.constant 0 : i32
    %c0_i32_0 = arith.constant 0 : i32
    return %arg0, %c0_i32 : i32, i32
  }
}

</mosaic_0001>

<sc_bundles>
// kernel: kernel.10.cloned.1.call-start
scs
__scs_entry_jumppad:
0x0: {  	(pc) =	sbr.rel $0x88, $3  }
0x1: {  	(tag) =	ssettag $0x0;
	lr =	simm.s32 $0x1  }
0x2: {  	[smem:$0x3F91] =	sst lr;
	_ =	strace $0xD0000000  }
0x3: {  	_ = 	snop  }
0x4: {  	_ = 	snop  }
0x5: {  	_ = 	snop  }
0x6: {  	_ = 	snop  }
0x7: {  	_ = 	snop  }
__scs_overlays_trampoline_lowered:
0x8: {  	[smem:$0x3FA0] =	sst s0  }
0x9: {  	[smem:$0x3FA1] =	sst s1  }
0xa: {  	[smem:$0x3FA2] =	sst s2  }
0xb: {  	[smem:$0x3FA3] =	sst s3  }
0xc: {  	[smem:$0x3FA4] =	sst s4  }
0xd: {  	[smem:$0x3FA5] =	sst s5  }
0xe: {  	[smem:$0x3FA6] =	sst s6  }
0xf: {  	[smem:$0x3FA7] =	sst s7  }
0x10: {  	[smem:$0x3FA8] =	sst s8  }
0x11: {  	[smem:$0x3FA9] =	sst s9;
	s0 =	simm.s32 @!p0 $0x0  }
0x12: {  	s1 =	sld [smem:$0x3F8F];
	s0 =	simm.s32 @p0 $0x1  }
0x13: {  	[smem:$0x3FAA] =	sst s0;
	s0 =	simm.s32 @!p1 $0x0  }
0x14: {  	s2 =	sld [smem:$0x3F8E];
	s0 =	simm.s32 @p1 $0x1  }
0x15: {  	[smem:$0x3FAB] =	sst s0;
	s0 =	simm.s32 @!p2 $0x0  }
0x16: {  	s3 =	sld [smem:$0x3FDB];
	s0 =	simm.s32 @p2 $0x1  }
0x17: {  	s4 =	simm.s32 $0x1BF5;
	[smem:$0x3FAD] =	sst s0  }
0x18: {  	s0 =	sld [smem:$0x3F90];
	_ =	swait.ge [sflag:s4], $0x0  }
0x19: {  	s7 =	sld [smem:$0x3F91]  }
0x1a: {  	s8 =	sadd.s32 $0xFFFFE003, lr  }
0x1b: {  	s9 =	sadd.s32 $0xFFFFFEF7, lr;
	s5 =	simm.s32 $0xFFFFFFFF;
	p2 =	slt.u32 s8, $0xFFFFF086  }
0x1c: {  	p1 =	slt.u32 s9, $0xF7A;
	s5 =	simm.s32 @!p2 $0x0  }
0x1d: {  	s5 =	simm.s32 @p1 $0x1;
	p0 =	seq.s32 s7, s2  }
0x1e: {  	s7 =	smul.u32 @!p0 $0xF7A, s2;
	p2 =	seq.s32 @!p0 s5, $0x0  }
0x1f: {  	s9 =	smul.u32 $0xF7A, s1;
	s8 =	simm.s32 @!p0 $0x1BF5;
	p2 =	por !p2, p0  }
0x20: {  	[sflag:s8] =	ssyncset.s32 @!p0 $0xFFFFF086;
	s6 =	sadd.s32 @!p0 s3, s7;
	s7 =	simm.s32 @!p0 $0x108  }
0x21: {  	s3 =	sadd.s32 s3, s9;
	s6 =	sadd.s32 @!p0 $0x88, s6;
	s7 =	simm.s32 @p2 $0x1082  }
0x22: {  	[simem:s7], [sflag:s8] =	dma.local @!p0 [hbm:s6], $0xF7A  }
0x23: {  	s9 =	sor.u32 $0xD0000000, s2;
	s6 =	simm.s32 $0x108;
	_ =	swait.ge @!p0 [sflag:s8], $0x0  }
0x24: {  	s3 =	sadd.s32 $0x88, s3;
	s6 =	simm.s32 @!p1 $0x1082;
	[sflag:s4] =	ssyncset.s32 $0xFFFFF086  }
0x25: {  	[simem:s6], [sflag:s4] =	dma.local [hbm:s3], $0xF7A  }
0x26: {  	[smem:$0x3F91] =	sst s1;
	(tag) =	ssettag s2;
	_ =	strace s9  }
0x27: {  	s1 =	sld [smem:$0x3FA1]  }
0x28: {  	s2 =	sld [smem:$0x3FA2]  }
0x29: {  	s4 =	sld [smem:$0x3FA4]  }
0x2a: {  	p0 =	seq.s32 s5, $0x0;
	s5 =	sld [smem:$0x3FA5]  }
0x2b: {  	s6 =	sld [smem:$0x3FA6]  }
0x2c: {  	s7 =	sld [smem:$0x3FA7]  }
0x2d: {  	s3 =	simm.s32 $0x108;
	s8 =	sld [smem:$0x3FA8]  }
0x2e: {  	s3 =	simm.s32 @!p0 $0x1082;
	s9 =	sld [smem:$0x3FA9]  }
0x2f: {  	lr =	sadd.s32 s0, s3;
	s0 =	sld [smem:$0x3FA0]  }
0x30: {  	s3 =	sld [smem:$0x3FA3]  }
0x31: {  	[smem:$0x3FAC] =	sst s10  }
0x32: {  	s10 =	sld [smem:$0x3FAA];
	_ =	sdelay $0x3  }
0x33: {  	p0 =	seq.s32 s10, $0x1;
	s10 =	sld [smem:$0x3FAC];
	_ =	sdelay $0x3  }
0x34: {  	[smem:$0x3FAC] =	sst s10  }
0x35: {  	s10 =	sld [smem:$0x3FAB];
	_ =	sdelay $0x3  }
0x36: {  	p1 =	seq.s32 s10, $0x1;
	s10 =	sld [smem:$0x3FAC];
	_ =	sdelay $0x3  }
0x37: {  	[smem:$0x3FAC] =	sst s10  }
0x38: {  	s10 =	sld [smem:$0x3FAD]  }
0x39: {  	_ = 	snop;
	(pc) =	sbr.ind lr, $3  }
0x3a: {  	_ = 	snop  }
0x3b: {  	_ = 	snop  }
0x3c: {  	p2 =	seq.s32 s10, $0x1;
	s10 =	sld [smem:$0x3FAC]  }
0x3d: {  	_ =	shalt  }
0x3e: {  	_ =	shalt  }
0x3f: {  	_ =	shalt  }
0x40: {  	_ =	shalt  }
0x41: {  	_ =	shalt  }
0x42: {  	_ =	shalt  }
0x43: {  	_ =	shalt  }
0x44: {  	_ =	shalt  }
0x45: {  	_ =	shalt  }
0x46: {  	_ =	shalt  }
0x47: {  	_ =	shalt  }
0x48: {  	_ =	shalt  }
0x49: {  	_ =	shalt  }
0x4a: {  	_ =	shalt  }
0x4b: {  	_ =	shalt  }
0x4c: {  	_ =	shalt  }
0x4d: {  	_ =	shalt  }
0x4e: {  	_ =	shalt  }
0x4f: {  	_ =	shalt  }
0x50: {  	_ =	shalt  }
0x51: {  	_ =	shalt  }
0x52: {  	_ =	shalt  }
0x53: {  	_ =	shalt  }
0x54: {  	_ =	shalt  }
0x55: {  	_ =	shalt  }
0x56: {  	_ =	shalt  }
0x57: {  	_ =	shalt  }
0x58: {  	_ =	shalt  }
0x59: {  	_ =	shalt  }
0x5a: {  	_ =	shalt  }
0x5b: {  	_ =	shalt  }
0x5c: {  	_ =	shalt  }
0x5d: {  	_ =	shalt  }
0x5e: {  	_ =	shalt  }
0x5f: {  	_ =	shalt  }
0x60: {  	_ =	shalt  }
0x61: {  	_ =	shalt  }
0x62: {  	_ =	shalt  }
0x63: {  	_ =	shalt  }
0x64: {  	_ =	shalt  }
0x65: {  	_ =	shalt  }
0x66: {  	_ =	shalt  }
0x67: {  	_ =	shalt  }
0x68: {  	_ =	shalt  }
0x69: {  	_ =	shalt  }
0x6a: {  	_ =	shalt  }
0x6b: {  	_ =	shalt  }
0x6c: {  	_ =	shalt  }
0x6d: {  	_ =	shalt  }
0x6e: {  	_ =	shalt  }
0x6f: {  	_ =	shalt  }
0x70: {  	_ =	shalt  }
0x71: {  	_ =	shalt  }
0x72: {  	_ =	shalt  }
0x73: {  	_ =	shalt  }
0x74: {  	_ =	shalt  }
0x75: {  	_ =	shalt  }
0x76: {  	_ =	shalt  }
0x77: {  	_ =	shalt  }
0x78: {  	_ =	shalt  }
0x79: {  	_ =	shalt  }
0x7a: {  	_ =	shalt  }
0x7b: {  	_ =	shalt  }
0x7c: {  	_ =	shalt  }
0x7d: {  	_ =	shalt  }
0x7e: {  	_ =	shalt  }
0x7f: {  	_ =	shalt  }
0x80: {  	_ =	shalt  }
0x81: {  	_ =	shalt  }
0x82: {  	_ =	shalt  }
0x83: {  	_ =	shalt  }
0x84: {  	_ =	shalt  }
0x85: {  	_ =	shalt  }
0x86: {  	_ =	shalt  }
0x87: {  	_ =	shalt  }
.Lfunc_end0:
.L_simem_size_0:
called_computation.1_lowered:
.L_overlay_start_0:
0x88: {  	s2 =	sld [smem:$0x3FD9]  }
0x89: {  	s3 =	sld [smem:$0x3FFE];
	_ =	sdelay $0x1  }
0x8a: {  	s1 =	srdreg.scid  }
0x8b: {  	s0 =	sand.u32 $0x1, s1  }
0x8c: {  	s17 =	sshll.u32 s0, $0xA;
	s2 =	sadd.s32 s3, s2  }
0x8d: {  	s2 =	sadd.s32 s2, s17  }
0x8e: {  	[smem:$0x3FB8] =	sst s2  }
0x8f: {  	_ = 	snop  }
0x90: {  	s18 =	sld [smem:$0x3FD0];
	(tm) =	ssettm $0x1  }
0x91: {  	s19 =	sld [smem:$0x3FFB];
	_ =	sdelay $0x3  }
0x92: {  	_ =	strace s19  }
0x93: {  	s2 =	sld [smem:$0x3FFC];
	_ =	sdelay $0x3  }
0x94: {  	_ =	strace s2  }
0x95: {  	s2 =	sld [smem:$0x3FFD];
	_ =	sdelay $0x3  }
0x96: {  	_ =	strace s2  }
0x97: {  	_ =	strace $0x8FFFFFFF  }
0x98: {  	s20 =	sld [smem:$0x3FDB];
	_ =	sdelay $0x1  }
0x99: {  	s4 =	simm.s32 $_scs_section_size  }
0x9a: {  	s5 =	simm.s32 $_size__tile_overlayer_lowered;
	s6 =	simm.s32 $_tile_overlayer_lowered  }
0x9b: {  	s7 =	simm.s32 $0x1BFF;
	s21 =	sshll.u32 s6, $0x1;
	s4 =	sadd.s32 s4, s20  }
0x9c: {  	s22 =	simm.s32 $0x0;
	s5 =	sshll.u32 s5, $0x1;
	s6 =	sadd.s32 s21, s4  }
0x9d: {  	[timem:s22], [sflag:s7] =	dma.local [hbm:s6], s5  }
0x9e: {  	_ =	swait.ge [sflag:s7], s5  }
0x9f: {  	s5 =	ssub.s32 $0x0, s5;
	[sflag:s7] =	ssyncset.done $0x0  }
0xa0: {  	[sflag:s7] =	ssyncadd.s32 s5;
	_ =	sdelay $0x1  }
0xa1: {  	s23 =	simm.s32 $0x1B8B  }
0xa2: {  	_ =	swait.ge [sflag:s23], $0x1  }
0xa3: {  	[sflag:s23] =	ssyncset.done $0x0  }
0xa4: {  	[sflag:s23] =	ssyncadd.s32 $0xFFFFFFFF  }
0xa5: {  	s5 =	sld [smem:$0x0]  }
0xa6: {  	s6 =	sand.u32 $0xFFFFFFFE, s1  }
0xa7: {  	p0 =	sne.s32 s1, s6  }
0xa8: {  	s6 =	sshll.u32 @p0 s6, $0xE  }
0xa9: {  	s6 =	sadd.s32 @p0 $0x11B8D, s6;
	s7 =	sshll.u32 @p0 s5, $0x11  }
0xaa: {  	s6 =	sor.u32 @p0 s7, s6  }
0xab: {  	[sflag:s6] =	ssyncadd.remote.s32 @p0 $0x1;
	_ =	sdelay $0x1  }
0xac: {  	s6 =	simm.s32 @p0 $0x1B8D  }
0xad: {  	_ =	swait.eq @p0 [sflag:s6], $0x1  }
0xae: {  	[sflag:s6] =	ssyncadd.s32 @p0 $0xFFFFFFFF  }
0xaf: {  	s7 =	sshll.u32 @!p0 s1, $0xE  }
0xb0: {  	s7 =	sor.u32 @!p0 $0x4000, s7;
	s6 =	simm.s32 @!p0 $0x1B8D  }
0xb1: {  	s5 =	sshll.u32 @!p0 s5, $0x11;
	s7 =	sadd.s32 @!p0 $0x11B8D, s7;
	_ =	swait.eq @!p0 [sflag:s6], $0x1  }
0xb2: {  	s5 =	sor.u32 @!p0 s5, s7;
	[sflag:s6] =	ssyncadd.s32 @!p0 $0xFFFFFFFF  }
0xb3: {  	s25 =	simm.s32 $0x1B8E;
	s24 =	sld [smem:$0x3FFE];
	[sflag:s5] =	ssyncadd.remote.s32 @!p0 $0x1  }
0xb4: {  	s26 =	simm.s32 $execute0_lowered;
	[smem:$0x3FD2] =	sst s25  }
0xb5: {  	s6 =	sshll.u32 s26, $0x1;
	_ =	strace $0x80000049;
	[dreg:$0x1] =	wrdreg $0xFFFFFFFF  }
0xb6: {  	s28 =	simm.s32 $_size_execute0_lowered;
	s4 =	sadd.s32 s4, s6;
	[dreg:$0x0] =	wrdreg $0x0  }
0xb7: {  	s6 =	sshll.u32 s28, $0x1;
	[dreg:$0x2] =	wrdreg s4  }
0xb8: {  	[dreg:$0x3] =	wrdreg s6  }
0xb9: {  	[dreg:$0x4] =	wrdreg $0xC0  }
0xba: {  	_ =	task [dreg:s22], $0x5FFFF  }
0xbb: {  	[dreg:$0x1] =	wrdreg $0xFFFFFFFF  }
0xbc: {  	[dreg:$0x0] =	wrdreg $0x60  }
0xbd: {  	[dreg:$0x2] =	wrdreg s24  }
0xbe: {  	[dreg:$0x3] =	wrdreg s18  }
0xbf: {  	[dreg:$0x4] =	wrdreg $0x9  }
0xc0: {  	_ =	task.clear_ibuf [dreg:s22], $0x5FFFF;
	_ =	strace $0x90000049  }
0xc1: {  	s29 =	simm.s32 $0x9;
	_ =	strace $0x8000004B  }
0xc2: {  	_ =	swait.ge [sflag:s29], $0x1  }
0xc3: {  	[sflag:s29] =	ssyncadd.s32 $0xFFFFFFFF  }
0xc4: {  	_ =	strace $0x9000004B  }
0xc5: {  	_ =	sfence  }
0xc6: {  	s30 =	sld [smem:$0x0];
	_ =	sdelay $0x2  }
0xc7: {  	s31 =	sshll.u32 s1, $0xD;
	s1 =	sshrl.u32 s1, $0x2  }
0xc8: {  	s4 =	sand.u32 $0x4000, s31;
	s1 =	sadd.s32 s1, s30  }
0xc9: {  	s0 =	sor.u32 s4, s0;
	s1 =	sshll.u32 s1, $0x11  }
0xca: {  	s0 =	sor.u32 s1, s0  }
0xcb: {  	s0 =	sadd.s32 $0x8F2B, s0  }
0xcc: {  	[sflag:s0] =	ssyncadd.remote.s32 $0x1  }
0xcd: {  	_ =	sfence.sel $0xFFFF  }
0xce: {  	[dreg:$0x0] =	wrdreg $0xFFFFFFFF;
	(pc) =	sbr.abs _section_cstart, $3  }
0xcf: {  	[dreg:$0x1] =	wrdreg $0xFFFFFFFF  }
0xd0: {  	_ =	task.clear_ibuf [dreg:s22], $0x2FFFF;
	_ =	strace $0x9FFFFFFF  }
0xd1: {  	(tm) =	ssettm $0x7FFFFFFF  }
tec
execute0_lowered:
.L_overlay_start_1:
0x0: {  	(tag) =	ssettag $0x1  }
0x1: {  	s0 =	srdreg.scid;
	s8 =	rddreg [dreg:$0x0]  }
0x2: {  	s1 =	stileid.u32;
	s2 =	rddreg [dreg:$0x1]  }
0x3: {  	s4 =	simm.s32 $0x0;
	s15 =	simm.s32 $0x3;
	s16 =	simm.s32 $0x1900  }
0x4: {  	s17 =	simm.s32 $0x3200;
	s18 =	simm.s32 $0x4B00;
	s19 =	simm.s32 $0x80  }
0x5: {  	s24 =	simm.s32 $0xE400;
	s28 =	simm.s32 $0x14400;
	s29 =	simm.s32 $0x1  }
0x6: {  	s30 =	simm.s32 $0x16400;
	s0 =	sand.u32 $0x1, s0;
	s1 =	sshll.u32 s1, $0x1  }
0x7: {  	s31 =	simm.s32 $0x2;
	[smem:$0x7FF] =	sst s4;
	s1 =	sor.u32 s0, s1  }
0x8: {  	s6 =	sadd.s32 $0x9200, s8;
	s0 =	ssub.s32 $0x2, s0;
	s3 =	smul.u32 $0x1900, s1  }
0x9: {  	s7 =	sadd.s32 $0x18FC00, s8;
	_ =	strace $0x8000004A;
	s10 =	sshrl.u32 s0, $0x1  }
0xa: {  	s13 =	smul.u32 $0x64000, s1;
	s0 =	ssub.s32 s0, s10;
	s5 =	sshrl.u32 s3, $0x3  }
0xb: {  	s1 =	simm.s32 $0x18400;
	s14 =	smax.u32 s0, $0x1;
	s9 =	sadd.s32 s5, s8  }
0xc: {  	s0 =	simm.s32 $0x0;
	s5 =	sadd.s32 $0x191000, s8;
	s11 =	sadd.s32 $0x1267400, s9  }
0xd: {  	s8 =	sadd.s32 $0x190400, s8;
	s25 =	sadd.s32 $0x126D800, s9;
	[dreg:$0x3] =	wrdreg s11  }
0xe: {  	s26 =	sadd.s32 $0x1273C00, s9;
	s12 =	sadd.s32 $0x127A000, s9;
	[dreg:$0x4] =	wrdreg s25  }
0xf: {  	[dreg:$0x5] =	wrdreg s26;
	s25 =	simm.s32 $0x10400;
	s26 =	simm.s32 $0x12400  }
.LBB2_1:
0x10: {  	s9 =	rddreg [dreg:$0x3]  }
0x11: {  	[tilespmem:s4], [sflag:$0x3] =	stream.linear.gather [hbm4b:s9+s4], $0x1900, $0x38;
	[tilespmem:$0x1A400] =	vst v63  }
0x12: {  	_ =	swait.ge [sflag:s15], $0x1900  }
0x13: {  	[sflag:s15] =	ssyncset.done $0x0  }
0x14: {  	s10 =	rddreg [dreg:$0x4];
	[sflag:s15] =	ssyncadd.s32 $0xFFFFE700  }
0x15: {  	[tilespmem:s16], [sflag:$0x3] =	stream.linear.gather [hbm4b:s10+s4], $0x1900, $0x38;
	[tilespmem:$0x1A400] =	vst v63  }
0x16: {  	_ =	swait.ge [sflag:s15], $0x1900  }
0x17: {  	[sflag:s15] =	ssyncset.done $0x0  }
0x18: {  	s11 =	rddreg [dreg:$0x5];
	[sflag:s15] =	ssyncadd.s32 $0xFFFFE700  }
0x19: {  	[tilespmem:s17], [sflag:$0x3] =	stream.linear.gather [hbm4b:s11+s4], $0x1900, $0x38;
	[tilespmem:$0x1A400] =	vst v63  }
0x1a: {  	_ =	swait.ge [sflag:s15], $0x1900  }
0x1b: {  	[sflag:s15] =	ssyncset.done $0x0  }
0x1c: {  	[sflag:s15] =	ssyncadd.s32 $0xFFFFE700  }
0x1d: {  	[tilespmem:s18], [sflag:$0x3] =	stream.linear.gather [hbm4b:s12+s4], $0x1900, $0x38;
	[tilespmem:$0x1A400] =	vst v63  }
0x1e: {  	_ =	swait.ge [sflag:s15], $0x1900  }
0x1f: {  	[sflag:s15] =	ssyncset.done $0x0  }
0x20: {  	s20 =	simm.s32 $0x6400;
	[sflag:s15] =	ssyncadd.s32 $0xFFFFE700  }
0x21: {  	[tilespmem:s20], [sflag:$0x1] =	stream.indirect.gather [hbm4b:s5+s19], $0x40, s4, s19, $0xb8;
	[tilespmem:$0x1A400] =	vst v63  }
0x22: {  	s21 =	simm.s32 $0x8400  }
0x23: {  	[tilespmem:s21], [sflag:$0x1] =	stream.indirect.gather [hbm4b:s6+s19], $0x40, s16, s19, $0xb8;
	[tilespmem:$0x1A400] =	vst v63  }
0x24: {  	s22 =	simm.s32 $0xA400  }
0x25: {  	[tilespmem:s22], [sflag:$0x1] =	stream.indirect.gather [hbm4b:s7+s19], $0x40, s17, s19, $0xb8;
	[tilespmem:$0x1A400] =	vst v63  }
0x26: {  	s23 =	simm.s32 $0xC400;
	s20 =	simm.s32 $0x0  }
0x27: {  	[tilespmem:s23], [sflag:$0x1] =	stream.indirect.gather [hbm4b:s8+s19], $0x40, s18, s19, $0xb8;
	[tilespmem:$0x1A400] =	vst v63  }
.LBB2_2:
0x28: {  	s22 =	sshll.u32 s20, $0x8  }
0x29: {  	s21 =	sor.u32 $0x80, s22  }
0x2a: {  	[tilespmem:s24], [sflag:$0x2] =	stream.indirect.gather [hbm4b:s5+s19], $0x40, s21, s19, $0xb8;
	[tilespmem:$0x1A400] =	vst v63  }
0x2b: {  	s9 =	sadd.s32 $0x1980, s22  }
0x2c: {  	[tilespmem:s25], [sflag:$0x2] =	stream.indirect.gather [hbm4b:s6+s19], $0x40, s9, s19, $0xb8;
	[tilespmem:$0x1A400] =	vst v63  }
0x2d: {  	s11 =	sadd.s32 $0x3280, s22  }
0x2e: {  	[tilespmem:s26], [sflag:$0x2] =	stream.indirect.gather [hbm4b:s7+s19], $0x40, s11, s19, $0xb8;
	[tilespmem:$0x1A400] =	vst v63  }
0x2f: {  	s23 =	sadd.s32 $0x4B80, s22  }
0x30: {  	[tilespmem:s28], [sflag:$0x2] =	stream.indirect.gather [hbm4b:s8+s19], $0x40, s23, s19, $0xb8;
	[tilespmem:$0x1A400] =	vst v63  }
0x31: {  	_ =	swait.ge [sflag:s29], $0x2000  }
0x32: {  	[sflag:s29] =	ssyncset.done $0x0  }
0x33: {  	[sflag:s29] =	ssyncadd.s32 $0xFFFFE000  }
0x34: {  	_ =	swait.ge [sflag:s29], $0x2000  }
0x35: {  	[sflag:s29] =	ssyncset.done $0x0  }
0x36: {  	[sflag:s29] =	ssyncadd.s32 $0xFFFFE000  }
0x37: {  	_ =	swait.ge [sflag:s29], $0x2000  }
0x38: {  	[sflag:s29] =	ssyncset.done $0x0  }
0x39: {  	[sflag:s29] =	ssyncadd.s32 $0xFFFFE000  }
0x3a: {  	_ =	swait.ge [sflag:s29], $0x2000  }
0x3b: {  	s10 =	simm.s32 $0x0;
	[sflag:s29] =	ssyncset.done $0x0  }
0x3c: {  	s9 =	sand.u32 $0x1FF0, s10;
	[sflag:s29] =	ssyncadd.s32 $0xFFFFE000  }
0x3d: {  	s10 =	simm.s32 $0x6400;
	v0 =	vld [tilespmem:s9+$0x8400]  }
0x3e: {  	v1 =	vld [tilespmem:s10+$0x0];
	_ =	sdelay $0x1  }
0x3f: {  	v2 =	vld [tilespmem:s9+$0xA400];
	_ =	sdelay $0x1  }
0x40: {  	v3 =	vld [tilespmem:s9+$0xC400]  }
0x41: {  	v0 =	vadd.f32 v0, v1;
	_ =	sdelay $0x1  }
0x42: {  	v0 =	vadd.f32 v2, v0;
	_ =	sdelay $0x1  }
0x43: {  	v0 =	vadd.f32 v3, v0  }
0x44: {  	s11 =	simm.s32 $0x10;
	s23 =	simm.s32 $0x16400  }
0x45: {  	s11 =	sand.u32 $0x1FF0, s11;
	[tilespmem:s23+$0x0] =	vst v0  }
0x46: {  	s10 =	simm.s32 $0x20;
	s9 =	simm.s32 $0x6410;
	v0 =	vld [tilespmem:s11+$0x8400]  }
.LBB2_3:
0x47: {  	p0 =	sne.s32 s10, $0x1FF0;
	v1 =	vld [tilespmem:s9+$0x0];
	_ =	sdelay $0x1  }
0x48: {  	v2 =	vld [tilespmem:s11+$0xA400];
	_ =	sdelay $0x1  }
0x49: {  	v3 =	vld [tilespmem:s11+$0xC400]  }
0x4a: {  	v0 =	vadd.f32 v0, v1;
	_ =	sdelay $0x1  }
0x4b: {  	v0 =	vadd.f32 v2, v0  }
.Ltmp0:
0x4c: {  	(pc) =	sbr.rel @p0 .LBB2_3-.Ltmp0, $4  }
0x4d: {  	v0 =	vadd.f32 v3, v0  }
0x4e: {  	s23 =	sadd.s32 $0x10, s23  }
0x4f: {  	s11 =	sand.u32 $0x1FF0, s10;
	[tilespmem:s23+$0x0] =	vst v0  }
0x50: {  	s9 =	sadd.s32 $0x10, s9;
	s10 =	sadd.s32 $0x10, s10;
	v0 =	vld [tilespmem:s11+$0x8400]  }
0x51: {  	v1 =	vld [tilespmem:s9+$0x0];
	_ =	sdelay $0x1  }
0x52: {  	v2 =	vld [tilespmem:s11+$0xA400];
	_ =	sdelay $0x1  }
0x53: {  	v3 =	vld [tilespmem:s11+$0xC400]  }
0x54: {  	v0 =	vadd.f32 v0, v1;
	_ =	sdelay $0x1  }
0x55: {  	v0 =	vadd.f32 v2, v0;
	_ =	sdelay $0x1  }
0x56: {  	v0 =	vadd.f32 v3, v0  }
0x57: {  	s11 =	sadd.s32 $0x10, s23;
	p0 =	seq.s32 s20, $0x18  }
0x58: {  	s9 =	sadd.s32 @!p0 $0x100, s22;
	s10 =	simm.s32 @!p0 $0x80;
	[tilespmem:s11+$0x0] =	vst v0;
	s11 =	simm.s32 @!p0 $0x6400  }
0x59: {  	[tilespmem:s11], [sflag:$0x1] =	stream.indirect.gather @!p0 [hbm4b:s5+s10], $0x40, s9, s10, $0xb8;
	[tilespmem:$0x1A400] =	vst v63  }
0x5a: {  	s9 =	sadd.s32 @!p0 $0x1A00, s22;
	s11 =	simm.s32 @!p0 $0x8400  }
0x5b: {  	[tilespmem:s11], [sflag:$0x1] =	stream.indirect.gather @!p0 [hbm4b:s6+s10], $0x40, s9, s10, $0xb8;
	[tilespmem:$0x1A400] =	vst v63  }
0x5c: {  	s9 =	sadd.s32 @!p0 $0x3300, s22;
	s11 =	simm.s32 @!p0 $0xA400  }
0x5d: {  	[tilespmem:s11], [sflag:$0x1] =	stream.indirect.gather @!p0 [hbm4b:s7+s10], $0x40, s9, s10, $0xb8;
	[tilespmem:$0x1A400] =	vst v63  }
0x5e: {  	s9 =	sadd.s32 @!p0 $0x4C00, s22;
	s11 =	simm.s32 @!p0 $0xC400;
	s22 =	sshll.u32 s20, $0xE  }
0x5f: {  	[tilespmem:s11], [sflag:$0x1] =	stream.indirect.gather @!p0 [hbm4b:s8+s10], $0x40, s9, s10, $0xb8;
	[tilespmem:$0x1A400] =	vst v63  }
0x60: {  	s9 =	sadd.s32 s13, s22  }
0x61: {  	s9 =	sshrl.u32 s9, $0x3  }
0x62: {  	s23 =	simm.s32 $0x0;
	s9 =	sadd.s32 s2, s9  }
0x63: {  	[hbm4b:s9+s23] =	stream.linear.scatter [tilespmem:s30], [sflag:$0x3], $0x2000, $0x38;
	[tilespmem:$0x1A400] =	vst v63  }
0x64: {  	_ =	swait.ge [sflag:s15], $0x2000  }
0x65: {  	[sflag:s15] =	ssyncset.done $0x0  }
0x66: {  	[sflag:s15] =	ssyncadd.s32 $0xFFFFE000  }
0x67: {  	_ =	swait.ge [sflag:s31], $0x2000  }
0x68: {  	[sflag:s31] =	ssyncset.done $0x0  }
0x69: {  	[sflag:s31] =	ssyncadd.s32 $0xFFFFE000  }
0x6a: {  	_ =	swait.ge [sflag:s31], $0x2000  }
0x6b: {  	[sflag:s31] =	ssyncset.done $0x0  }
0x6c: {  	[sflag:s31] =	ssyncadd.s32 $0xFFFFE000  }
0x6d: {  	_ =	swait.ge [sflag:s31], $0x2000  }
0x6e: {  	[sflag:s31] =	ssyncset.done $0x0  }
0x6f: {  	[sflag:s31] =	ssyncadd.s32 $0xFFFFE000  }
0x70: {  	_ =	swait.ge [sflag:s31], $0x2000  }
0x71: {  	[sflag:s31] =	ssyncset.done $0x0  }
0x72: {  	s11 =	sand.u32 $0x1FF0, s23;
	[sflag:s31] =	ssyncadd.s32 $0xFFFFE000  }
0x73: {  	s22 =	simm.s32 $0xE400;
	v0 =	vld [tilespmem:s11+$0x10400]  }
0x74: {  	v1 =	vld [tilespmem:s22+$0x0];
	_ =	sdelay $0x1  }
0x75: {  	v2 =	vld [tilespmem:s11+$0x12400];
	_ =	sdelay $0x1  }
0x76: {  	v3 =	vld [tilespmem:s11+$0x14400]  }
0x77: {  	v0 =	vadd.f32 v0, v1;
	_ =	sdelay $0x1  }
0x78: {  	v0 =	vadd.f32 v2, v0;
	_ =	sdelay $0x1  }
0x79: {  	v0 =	vadd.f32 v3, v0  }
0x7a: {  	s23 =	simm.s32 $0x10;
	s22 =	simm.s32 $0x18400  }
0x7b: {  	s11 =	sand.u32 $0x1FF0, s23;
	[tilespmem:s22+$0x0] =	vst v0  }
0x7c: {  	s10 =	simm.s32 $0x20;
	s9 =	simm.s32 $0xE410;
	v0 =	vld [tilespmem:s11+$0x10400]  }
.LBB2_5:
0x7d: {  	p0 =	sne.s32 s10, $0x1FF0;
	v1 =	vld [tilespmem:s9+$0x0];
	_ =	sdelay $0x1  }
0x7e: {  	v2 =	vld [tilespmem:s11+$0x12400];
	_ =	sdelay $0x1  }
0x7f: {  	v3 =	vld [tilespmem:s11+$0x14400]  }
0x80: {  	v0 =	vadd.f32 v0, v1;
	_ =	sdelay $0x1  }
0x81: {  	v0 =	vadd.f32 v2, v0  }
.Ltmp1:
0x82: {  	(pc) =	sbr.rel @p0 .LBB2_5-.Ltmp1, $4  }
0x83: {  	v0 =	vadd.f32 v3, v0  }
0x84: {  	s22 =	sadd.s32 $0x10, s22  }
0x85: {  	s11 =	sand.u32 $0x1FF0, s10;
	[tilespmem:s22+$0x0] =	vst v0  }
0x86: {  	s9 =	sadd.s32 $0x10, s9;
	s10 =	sadd.s32 $0x10, s10;
	v0 =	vld [tilespmem:s11+$0x10400]  }
0x87: {  	v1 =	vld [tilespmem:s9+$0x0];
	_ =	sdelay $0x1  }
0x88: {  	v2 =	vld [tilespmem:s11+$0x12400];
	_ =	sdelay $0x1  }
0x89: {  	v3 =	vld [tilespmem:s11+$0x14400]  }
0x8a: {  	v0 =	vadd.f32 v0, v1;
	_ =	sdelay $0x1  }
0x8b: {  	v0 =	vadd.f32 v2, v0  }
0x8c: {  	s23 =	sadd.s32 s3, s21  }
0x8d: {  	s20 =	sadd.s32 $0x1, s20;
	s9 =	sshll.u32 s23, $0x3;
	v0 =	vadd.f32 v3, v0  }
0x8e: {  	s10 =	sadd.s32 $0x10, s22;
	p0 =	sne.s32 s20, $0x19;
	s9 =	sand.u32 $0x1FFFFC00, s9  }
.Ltmp2:
0x8f: {  	s9 =	sadd.s32 s2, s9;
	[tilespmem:s10+$0x0] =	vst v0;
	(pc) =	sbr.rel @p0 .LBB2_2-.Ltmp2, $4  }
0x90: {  	[hbm4b:s9+s4] =	stream.linear.scatter [tilespmem:s1], [sflag:$0x3], $0x2000, $0x38;
	[tilespmem:$0x1A400] =	vst v63  }
0x91: {  	_ =	swait.ge [sflag:s15], $0x2000  }
0x92: {  	[sflag:s15] =	ssyncset.done $0x0  }
0x93: {  	[sflag:s15] =	ssyncadd.s32 $0xFFFFE000  }
0x94: {  	s0 =	sadd.s32 $0x1, s0  }
0x95: {  	p0 =	sne.s32 s0, s14  }
.Ltmp3:
0x96: {  	_ = 	snop;
	(pc) =	sbr.rel @p0 .LBB2_1-.Ltmp3, $1  }
0x97: {  	_ =	sdelay $0x3  }
0x98: {  	_ =	sfence.sel $0x180000  }
0x99: {  	[bflag:$0x0] =	sbarrier.arrive $0xFFFF  }
0x9a: {  	_ =	strace $0x9000004A  }
0x9b: {  	s0 =	stileid.u32;
	[bflag:$0x2] =	sbarrier.arrive $0xFFFF  }
0x9c: {  	p0 =	sne.s32 s0, $0x0;
	s0 =	rddreg [dreg:$0x2]  }
0x9d: {  	s0 =	sadd.s32 @!p0 $0x100000, s0  }
0x9e: {  	[sflag:s0] =	ssyncadd.tile.s32 @!p0 $0x1;
	_ =	shalt  }
.Lfunc_end2:
_tile_overlayer_lowered:
.L_overlay_start_2:
0x9f: {  	(tag) =	ssettag $0x2  }
0xa0: {  	s0 =	rddreg [dreg:$0x0];
	s2 =	stileid.u32  }
0xa1: {  	s1 =	rddreg [dreg:$0x1];
	p0 =	sne.s32 s2, $0x0  }
0xa2: {  	s3 =	rddreg [dreg:$0x2];
	[bflag:$0x3] =	sbarrier.arrive $0xFFFF;
	s2 =	simm.s32 @!p0 $0x1C03  }
0xa3: {  	[timem:s3], [sflag:s2] =	dma.local @!p0 [hbm:s0], s1  }
0xa4: {  	s0 =	simm.s32 @!p0 $0x3  }
0xa5: {  	_ =	swait.ge @!p0 [sflag:s0], s1  }
0xa6: {  	s1 =	ssub.s32 @!p0 $0x0, s1;
	[sflag:s0] =	ssyncset.done @!p0 $0x0  }
0xa7: {  	[sflag:s0] =	ssyncadd.s32 @!p0 s1  }
0xa8: {  	[bflag:$0x3] =	sbarrier.arrive $0xFFFF  }
0xa9: {  	_ =	shalt  }

// kernel: kernel.13.cloned.1.call-start
scs
__scs_entry_jumppad:
0x0: {  	(pc) =	sbr.rel $0x88, $3  }
0x1: {  	(tag) =	ssettag $0x0;
	lr =	simm.s32 $0x1  }
0x2: {  	[smem:$0x3F91] =	sst lr;
	_ =	strace $0xD0000000  }
0x3: {  	_ = 	snop  }
0x4: {  	_ = 	snop  }
0x5: {  	_ = 	snop  }
0x6: {  	_ = 	snop  }
0x7: {  	_ = 	snop  }
__scs_overlays_trampoline_lowered:
0x8: {  	[smem:$0x3FA0] =	sst s0  }
0x9: {  	[smem:$0x3FA1] =	sst s1  }
0xa: {  	[smem:$0x3FA2] =	sst s2  }
0xb: {  	[smem:$0x3FA3] =	sst s3  }
0xc: {  	[smem:$0x3FA4] =	sst s4  }
0xd: {  	[smem:$0x3FA5] =	sst s5  }
0xe: {  	[smem:$0x3FA6] =	sst s6  }
0xf: {  	[smem:$0x3FA7] =	sst s7  }
0x10: {  	[smem:$0x3FA8] =	sst s8  }
0x11: {  	[smem:$0x3FA9] =	sst s9;
	s0 =	simm.s32 @!p0 $0x0  }
0x12: {  	s1 =	sld [smem:$0x3F8F];
	s0 =	simm.s32 @p0 $0x1  }
0x13: {  	[smem:$0x3FAA] =	sst s0;
	s0 =	simm.s32 @!p1 $0x0  }
0x14: {  	s2 =	sld [smem:$0x3F8E];
	s0 =	simm.s32 @p1 $0x1  }
0x15: {  	[smem:$0x3FAB] =	sst s0;
	s0 =	simm.s32 @!p2 $0x0  }
0x16: {  	s3 =	sld [smem:$0x3FDB];
	s0 =	simm.s32 @p2 $0x1  }
0x17: {  	s4 =	simm.s32 $0x1BF5;
	[smem:$0x3FAD] =	sst s0  }
0x18: {  	s0 =	sld [smem:$0x3F90];
	_ =	swait.ge [sflag:s4], $0x0  }
0x19: {  	s7 =	sld [smem:$0x3F91]  }
0x1a: {  	s8 =	sadd.s32 $0xFFFFE003, lr  }
0x1b: {  	s9 =	sadd.s32 $0xFFFFFEF7, lr;
	s5 =	simm.s32 $0xFFFFFFFF;
	p2 =	slt.u32 s8, $0xFFFFF086  }
0x1c: {  	p1 =	slt.u32 s9, $0xF7A;
	s5 =	simm.s32 @!p2 $0x0  }
0x1d: {  	s5 =	simm.s32 @p1 $0x1;
	p0 =	seq.s32 s7, s2  }
0x1e: {  	s7 =	smul.u32 @!p0 $0xF7A, s2;
	p2 =	seq.s32 @!p0 s5, $0x0  }
0x1f: {  	s9 =	smul.u32 $0xF7A, s1;
	s8 =	simm.s32 @!p0 $0x1BF5;
	p2 =	por !p2, p0  }
0x20: {  	[sflag:s8] =	ssyncset.s32 @!p0 $0xFFFFF086;
	s6 =	sadd.s32 @!p0 s3, s7;
	s7 =	simm.s32 @!p0 $0x108  }
0x21: {  	s3 =	sadd.s32 s3, s9;
	s6 =	sadd.s32 @!p0 $0x88, s6;
	s7 =	simm.s32 @p2 $0x1082  }
0x22: {  	[simem:s7], [sflag:s8] =	dma.local @!p0 [hbm:s6], $0xF7A  }
0x23: {  	s9 =	sor.u32 $0xD0000000, s2;
	s6 =	simm.s32 $0x108;
	_ =	swait.ge @!p0 [sflag:s8], $0x0  }
0x24: {  	s3 =	sadd.s32 $0x88, s3;
	s6 =	simm.s32 @!p1 $0x1082;
	[sflag:s4] =	ssyncset.s32 $0xFFFFF086  }
0x25: {  	[simem:s6], [sflag:s4] =	dma.local [hbm:s3], $0xF7A  }
0x26: {  	[smem:$0x3F91] =	sst s1;
	(tag) =	ssettag s2;
	_ =	strace s9  }
0x27: {  	s1 =	sld [smem:$0x3FA1]  }
0x28: {  	s2 =	sld [smem:$0x3FA2]  }
0x29: {  	s4 =	sld [smem:$0x3FA4]  }
0x2a: {  	p0 =	seq.s32 s5, $0x0;
	s5 =	sld [smem:$0x3FA5]  }
0x2b: {  	s6 =	sld [smem:$0x3FA6]  }
0x2c: {  	s7 =	sld [smem:$0x3FA7]  }
0x2d: {  	s3 =	simm.s32 $0x108;
	s8 =	sld [smem:$0x3FA8]  }
0x2e: {  	s3 =	simm.s32 @!p0 $0x1082;
	s9 =	sld [smem:$0x3FA9]  }
0x2f: {  	lr =	sadd.s32 s0, s3;
	s0 =	sld [smem:$0x3FA0]  }
0x30: {  	s3 =	sld [smem:$0x3FA3]  }
0x31: {  	[smem:$0x3FAC] =	sst s10  }
0x32: {  	s10 =	sld [smem:$0x3FAA];
	_ =	sdelay $0x3  }
0x33: {  	p0 =	seq.s32 s10, $0x1;
	s10 =	sld [smem:$0x3FAC];
	_ =	sdelay $0x3  }
0x34: {  	[smem:$0x3FAC] =	sst s10  }
0x35: {  	s10 =	sld [smem:$0x3FAB];
	_ =	sdelay $0x3  }
0x36: {  	p1 =	seq.s32 s10, $0x1;
	s10 =	sld [smem:$0x3FAC];
	_ =	sdelay $0x3  }
0x37: {  	[smem:$0x3FAC] =	sst s10  }
0x38: {  	s10 =	sld [smem:$0x3FAD]  }
0x39: {  	_ = 	snop;
	(pc) =	sbr.ind lr, $3  }
0x3a: {  	_ = 	snop  }
0x3b: {  	_ = 	snop  }
0x3c: {  	p2 =	seq.s32 s10, $0x1;
	s10 =	sld [smem:$0x3FAC]  }
0x3d: {  	_ =	shalt  }
0x3e: {  	_ =	shalt  }
0x3f: {  	_ =	shalt  }
0x40: {  	_ =	shalt  }
0x41: {  	_ =	shalt  }
0x42: {  	_ =	shalt  }
0x43: {  	_ =	shalt  }
0x44: {  	_ =	shalt  }
0x45: {  	_ =	shalt  }
0x46: {  	_ =	shalt  }
0x47: {  	_ =	shalt  }
0x48: {  	_ =	shalt  }
0x49: {  	_ =	shalt  }
0x4a: {  	_ =	shalt  }
0x4b: {  	_ =	shalt  }
0x4c: {  	_ =	shalt  }
0x4d: {  	_ =	shalt  }
0x4e: {  	_ =	shalt  }
0x4f: {  	_ =	shalt  }
0x50: {  	_ =	shalt  }
0x51: {  	_ =	shalt  }
0x52: {  	_ =	shalt  }
0x53: {  	_ =	shalt  }
0x54: {  	_ =	shalt  }
0x55: {  	_ =	shalt  }
0x56: {  	_ =	shalt  }
0x57: {  	_ =	shalt  }
0x58: {  	_ =	shalt  }
0x59: {  	_ =	shalt  }
0x5a: {  	_ =	shalt  }
0x5b: {  	_ =	shalt  }
0x5c: {  	_ =	shalt  }
0x5d: {  	_ =	shalt  }
0x5e: {  	_ =	shalt  }
0x5f: {  	_ =	shalt  }
0x60: {  	_ =	shalt  }
0x61: {  	_ =	shalt  }
0x62: {  	_ =	shalt  }
0x63: {  	_ =	shalt  }
0x64: {  	_ =	shalt  }
0x65: {  	_ =	shalt  }
0x66: {  	_ =	shalt  }
0x67: {  	_ =	shalt  }
0x68: {  	_ =	shalt  }
0x69: {  	_ =	shalt  }
0x6a: {  	_ =	shalt  }
0x6b: {  	_ =	shalt  }
0x6c: {  	_ =	shalt  }
0x6d: {  	_ =	shalt  }
0x6e: {  	_ =	shalt  }
0x6f: {  	_ =	shalt  }
0x70: {  	_ =	shalt  }
0x71: {  	_ =	shalt  }
0x72: {  	_ =	shalt  }
0x73: {  	_ =	shalt  }
0x74: {  	_ =	shalt  }
0x75: {  	_ =	shalt  }
0x76: {  	_ =	shalt  }
0x77: {  	_ =	shalt  }
0x78: {  	_ =	shalt  }
0x79: {  	_ =	shalt  }
0x7a: {  	_ =	shalt  }
0x7b: {  	_ =	shalt  }
0x7c: {  	_ =	shalt  }
0x7d: {  	_ =	shalt  }
0x7e: {  	_ =	shalt  }
0x7f: {  	_ =	shalt  }
0x80: {  	_ =	shalt  }
0x81: {  	_ =	shalt  }
0x82: {  	_ =	shalt  }
0x83: {  	_ =	shalt  }
0x84: {  	_ =	shalt  }
0x85: {  	_ =	shalt  }
0x86: {  	_ =	shalt  }
0x87: {  	_ =	shalt  }
.Lfunc_end0:
.L_simem_size_0:
called_computation.2_lowered:
.L_overlay_start_0:
0x88: {  	s2 =	sld [smem:$0x3FD9]  }
0x89: {  	s3 =	sld [smem:$0x3FFE];
	_ =	sdelay $0x1  }
0x8a: {  	s1 =	srdreg.scid  }
0x8b: {  	s0 =	sand.u32 $0x1, s1  }
0x8c: {  	s16 =	sshll.u32 s0, $0xA;
	s2 =	sadd.s32 s3, s2  }
0x8d: {  	s2 =	sadd.s32 s2, s16  }
0x8e: {  	[smem:$0x3FB8] =	sst s2  }
0x8f: {  	_ = 	snop  }
0x90: {  	(tm) =	ssettm $0x1  }
0x91: {  	s17 =	sld [smem:$0x3FFB];
	_ =	sdelay $0x3  }
0x92: {  	_ =	strace s17  }
0x93: {  	s2 =	sld [smem:$0x3FFC];
	_ =	sdelay $0x3  }
0x94: {  	_ =	strace s2  }
0x95: {  	s2 =	sld [smem:$0x3FFD];
	_ =	sdelay $0x3  }
0x96: {  	_ =	strace s2  }
0x97: {  	_ =	strace $0x8FFFFFFF  }
0x98: {  	s18 =	sld [smem:$0x3FDB];
	_ =	sdelay $0x1  }
0x99: {  	s19 =	simm.s32 $_scs_section_size  }
0x9a: {  	s4 =	simm.s32 $_size__tile_overlayer_lowered;
	s5 =	simm.s32 $_tile_overlayer_lowered  }
0x9b: {  	s22 =	simm.s32 $0x1BFF;
	s21 =	sshll.u32 s5, $0x1;
	s2 =	sadd.s32 s19, s18  }
0x9c: {  	s6 =	simm.s32 $0x0;
	s20 =	sshll.u32 s4, $0x1;
	s4 =	sadd.s32 s21, s2  }
0x9d: {  	[timem:s6], [sflag:s22] =	dma.local [hbm:s4], s20  }
0x9e: {  	_ =	swait.ge [sflag:s22], s20  }
0x9f: {  	s3 =	ssub.s32 $0x0, s20;
	[sflag:s22] =	ssyncset.done $0x0  }
0xa0: {  	[sflag:s22] =	ssyncadd.s32 s3;
	_ =	sdelay $0x1  }
0xa1: {  	s23 =	simm.s32 $0x1B8B  }
0xa2: {  	_ =	swait.ge [sflag:s23], $0x1  }
0xa3: {  	[sflag:s23] =	ssyncset.done $0x0  }
0xa4: {  	s25 =	simm.s32 $0x1B8E;
	s24 =	sld [smem:$0x3FFE];
	[sflag:s23] =	ssyncadd.s32 $0xFFFFFFFF  }
0xa5: {  	s26 =	simm.s32 $execute0_lowered;
	[smem:$0x3FD2] =	sst s25  }
0xa6: {  	s4 =	sshll.u32 s26, $0x1;
	_ =	strace $0x80000046;
	[dreg:$0x1] =	wrdreg $0xFFFFFFFF  }
0xa7: {  	s28 =	simm.s32 $_size_execute0_lowered;
	s2 =	sadd.s32 s2, s4;
	[dreg:$0x0] =	wrdreg $0x0  }
0xa8: {  	s4 =	sshll.u32 s28, $0x1;
	[dreg:$0x2] =	wrdreg s2  }
0xa9: {  	[dreg:$0x3] =	wrdreg s4  }
0xaa: {  	[dreg:$0x4] =	wrdreg $0xC0  }
0xab: {  	_ =	task [dreg:s6], $0x5FFFF  }
0xac: {  	[dreg:$0x1] =	wrdreg $0xFFFFFFFF  }
0xad: {  	[dreg:$0x0] =	wrdreg $0x60  }
0xae: {  	[dreg:$0x2] =	wrdreg s24  }
0xaf: {  	[dreg:$0x3] =	wrdreg $0xA  }
0xb0: {  	_ =	task.clear_ibuf [dreg:s6], $0x4FFFF;
	_ =	strace $0x90000046  }
0xb1: {  	s29 =	simm.s32 $0xA;
	_ =	strace $0x80000048  }
0xb2: {  	_ =	swait.ge [sflag:s29], $0x1  }
0xb3: {  	[sflag:s29] =	ssyncadd.s32 $0xFFFFFFFF  }
0xb4: {  	_ =	strace $0x90000048  }
0xb5: {  	_ =	sfence  }
0xb6: {  	s30 =	sld [smem:$0x0];
	_ =	sdelay $0x2  }
0xb7: {  	s31 =	sshll.u32 s1, $0xD;
	s1 =	sshrl.u32 s1, $0x2  }
0xb8: {  	s3 =	sand.u32 $0x4000, s31;
	s1 =	sadd.s32 s1, s30  }
0xb9: {  	s0 =	sor.u32 s3, s0;
	s1 =	sshll.u32 s1, $0x11  }
0xba: {  	s0 =	sor.u32 s1, s0  }
0xbb: {  	s0 =	sadd.s32 $0x8F2B, s0  }
0xbc: {  	[sflag:s0] =	ssyncadd.remote.s32 $0x1  }
0xbd: {  	_ =	sfence.sel $0xFFFF  }
0xbe: {  	[dreg:$0x0] =	wrdreg $0xFFFFFFFF;
	(pc) =	sbr.abs _section_cstart, $3  }
0xbf: {  	[dreg:$0x1] =	wrdreg $0xFFFFFFFF  }
0xc0: {  	_ =	task.clear_ibuf [dreg:s6], $0x2FFFF;
	_ =	strace $0x9FFFFFFF  }
0xc1: {  	(tm) =	ssettm $0x7FFFFFFF  }
tec
execute0_lowered:
.L_overlay_start_1:
0x0: {  	(tag) =	ssettag $0x1  }
0x1: {  	s1 =	srdreg.scid  }
0x2: {  	s0 =	stileid.u32;
	s4 =	rddreg [dreg:$0x0];
	s2 =	simm.s32 $0x0  }
0x3: {  	s14 =	simm.s32 $0x1;
	s15 =	simm.s32 $0x2;
	s10 =	smul.u32 $0xC8000, s0  }
0x4: {  	s16 =	simm.s32 $0x1880;
	s5 =	sand.u32 $0x1, s1;
	s26 =	smul.u32 $0x3200, s0  }
0x5: {  	s17 =	simm.s32 $0x0;
	s25 =	sshll.u32 s0, $0x1;
	s12 =	smul.u32 $0x64000, s5  }
0x6: {  	s1 =	rddreg [dreg:$0x1];
	s6 =	sor.u32 s5, s25;
	s28 =	smul.u32 $0x1900, s5  }
0x7: {  	[smem:$0x7FF] =	sst s2;
	s9 =	ssub.s32 $0x2, s5;
	s3 =	smul.u32 $0x1900, s6  }
0x8: {  	s13 =	sadd.s32 $0x10D7400, s4;
	s7 =	smul.u32 $0x64000, s6;
	s11 =	sshrl.u32 s9, $0x1  }
0x9: {  	_ =	strace $0x80000047;
	s29 =	smul.u32 $0xC800, s6;
	s9 =	ssub.s32 s9, s11  }
0xa: {  	s30 =	sadd.s32 s12, s10;
	s12 =	simm.s32 $0x80;
	s3 =	sshrl.u32 s3, $0x3  }
0xb: {  	s7 =	sshrl.u32 s7, $0x3;
	s5 =	smax.u32 s9, $0x1;
	s9 =	sadd.s32 s13, s29  }
0xc: {  	s10 =	sshrl.u32 s30, $0x3;
	s8 =	sadd.s32 s3, s4;
	s3 =	sadd.s32 $0x195000, s4  }
0xd: {  	s7 =	sadd.s32 s13, s7;
	s4 =	sadd.s32 $0x2E00, s8;
	s8 =	sadd.s32 s28, s26  }
0xe: {  	s6 =	sadd.s32 $0xC000, s7;
	s7 =	sadd.s32 $0xC400, s9;
	s11 =	sshll.u32 s8, $0x3  }
0xf: {  	s8 =	sadd.s32 s10, s13;
	s10 =	simm.s32 $0x3;
	s31 =	sadd.s32 s11, s13  }
0x10: {  	s11 =	simm.s32 $0x1900;
	s13 =	simm.s32 $0x3900;
	s9 =	sadd.s32 $0x400, s31  }
.LBB2_1:
0x11: {  	[tilespmem:s2], [sflag:$0x3] =	stream.linear.gather [hbm4b:s4+s2], $0x1900, $0x38;
	[tilespmem:$0x5900] =	vst v63  }
0x12: {  	_ =	swait.ge [sflag:s10], $0x1900  }
0x13: {  	[sflag:s10] =	ssyncset.done $0x0  }
0x14: {  	[sflag:s10] =	ssyncadd.s32 $0xFFFFE700  }
0x15: {  	[tilespmem:s11], [sflag:$0x1] =	stream.indirect.gather [hbm4b:s3+s12], $0x40, s2, s12, $0xb8;
	[tilespmem:$0x5900] =	vst v63  }
0x16: {  	_ = 	snop  }
0x17: {  	[tilespmem:s13], [sflag:$0x2] =	stream.indirect.gather [hbm4b:s3+s12], $0x40, s12, s12, $0xb8;
	[tilespmem:$0x5900] =	vst v63  }
0x18: {  	_ =	swait.ge [sflag:s14], $0x2000  }
0x19: {  	[sflag:s14] =	ssyncset.done $0x0  }
0x1a: {  	s18 =	sadd.s32 $0x0, s8;
	[sflag:s14] =	ssyncadd.s32 $0xFFFFE000  }
0x1b: {  	[hbm4b:s18+s2] =	stream.linear.scatter [tilespmem:s11], [sflag:$0x3], $0x2000, $0x38;
	[tilespmem:$0x5900] =	vst v63  }
0x1c: {  	_ =	swait.ge [sflag:s10], $0x2000  }
0x1d: {  	[sflag:s10] =	ssyncset.done $0x0  }
0x1e: {  	s30 =	simm.s32 $0x100;
	[sflag:s10] =	ssyncadd.s32 $0xFFFFE000  }
0x1f: {  	[tilespmem:s11], [sflag:$0x1] =	stream.indirect.gather [hbm4b:s3+s12], $0x40, s30, s12, $0xb8;
	[tilespmem:$0x5900] =	vst v63  }
0x20: {  	_ =	swait.ge [sflag:s15], $0x2000  }
0x21: {  	[sflag:s15] =	ssyncset.done $0x0  }
0x22: {  	s31 =	sadd.s32 $0x0, s9;
	[sflag:s15] =	ssyncadd.s32 $0xFFFFE000  }
0x23: {  	[hbm4b:s31+s2] =	stream.linear.scatter [tilespmem:s13], [sflag:$0x3], $0x2000, $0x38;
	[tilespmem:$0x5900] =	vst v63  }
0x24: {  	_ =	swait.ge [sflag:s10], $0x2000  }
0x25: {  	s19 =	simm.s32 $0x80;
	s18 =	simm.s32 $0x800;
	[sflag:s10] =	ssyncset.done $0x0  }
.LBB2_2:
0x26: {  	p0 =	sne.s32 s18, $0xB800;
	[sflag:s10] =	ssyncadd.s32 $0xFFFFE000;
	s19 =	sadd.s32 $0x100, s19  }
0x27: {  	[tilespmem:s13], [sflag:$0x2] =	stream.indirect.gather [hbm4b:s3+s12], $0x40, s19, s12, $0xb8;
	[tilespmem:$0x5900] =	vst v63  }
0x28: {  	s20 =	smov.u32 s18;
	s18 =	sadd.s32 $0x800, s18;
	_ =	swait.ge [sflag:s14], $0x2000  }
0x29: {  	[sflag:s14] =	ssyncset.done $0x0  }
0x2a: {  	s21 =	sadd.s32 s20, s8;
	[sflag:s14] =	ssyncadd.s32 $0xFFFFE000  }
0x2b: {  	[hbm4b:s21+s2] =	stream.linear.scatter [tilespmem:s11], [sflag:$0x3], $0x2000, $0x38;
	[tilespmem:$0x5900] =	vst v63  }
0x2c: {  	_ =	swait.ge [sflag:s10], $0x2000  }
0x2d: {  	[sflag:s10] =	ssyncset.done $0x0  }
0x2e: {  	s21 =	sadd.s32 $0x80, s19;
	[sflag:s10] =	ssyncadd.s32 $0xFFFFE000  }
0x2f: {  	[tilespmem:s11], [sflag:$0x1] =	stream.indirect.gather [hbm4b:s3+s12], $0x40, s21, s12, $0xb8;
	[tilespmem:$0x5900] =	vst v63  }
0x30: {  	_ =	swait.ge [sflag:s15], $0x2000  }
.Ltmp0:
0x31: {  	[sflag:s15] =	ssyncset.done $0x0;
	(pc) =	sbr.rel @p0 .LBB2_2-.Ltmp0, $4  }
0x32: {  	s20 =	sadd.s32 s20, s9;
	[sflag:s15] =	ssyncadd.s32 $0xFFFFE000  }
0x33: {  	[hbm4b:s20+s2] =	stream.linear.scatter [tilespmem:s13], [sflag:$0x3], $0x2000, $0x38;
	[tilespmem:$0x5900] =	vst v63  }
0x34: {  	_ =	swait.ge [sflag:s10], $0x2000  }
0x35: {  	[sflag:s10] =	ssyncset.done $0x0  }
0x36: {  	[sflag:s10] =	ssyncadd.s32 $0xFFFFE000  }
0x37: {  	[tilespmem:s13], [sflag:$0x2] =	stream.indirect.gather [hbm4b:s3+s12], $0x40, s16, s12, $0xb8;
	[tilespmem:$0x5900] =	vst v63  }
0x38: {  	_ =	swait.ge [sflag:s14], $0x2000  }
0x39: {  	[sflag:s14] =	ssyncset.done $0x0  }
0x3a: {  	[sflag:s14] =	ssyncadd.s32 $0xFFFFE000  }
0x3b: {  	[hbm4b:s6+s2] =	stream.linear.scatter [tilespmem:s11], [sflag:$0x3], $0x2000, $0x38;
	[tilespmem:$0x5900] =	vst v63  }
0x3c: {  	_ =	swait.ge [sflag:s10], $0x2000  }
0x3d: {  	[sflag:s10] =	ssyncset.done $0x0  }
0x3e: {  	[sflag:s10] =	ssyncadd.s32 $0xFFFFE000  }
0x3f: {  	s17 =	sadd.s32 $0x1, s17;
	_ =	swait.ge [sflag:s15], $0x2000  }
0x40: {  	p0 =	sne.s32 s17, s5;
	[sflag:s15] =	ssyncset.done $0x0  }
.Ltmp1:
0x41: {  	[sflag:s15] =	ssyncadd.s32 $0xFFFFE000;
	(pc) =	sbr.rel @p0 .LBB2_1-.Ltmp1, $4  }
0x42: {  	[hbm4b:s7+s2] =	stream.linear.scatter [tilespmem:s13], [sflag:$0x3], $0x2000, $0x38;
	[tilespmem:$0x5900] =	vst v63  }
0x43: {  	_ =	swait.ge [sflag:s10], $0x2000  }
0x44: {  	[sflag:s10] =	ssyncset.done $0x0  }
0x45: {  	[sflag:s10] =	ssyncadd.s32 $0xFFFFE000  }
0x46: {  	_ =	sfence.sel $0x180000  }
0x47: {  	[bflag:$0x0] =	sbarrier.arrive $0xFFFF  }
0x48: {  	p0 =	sne.s32 s0, $0x0;
	_ =	strace $0x90000047  }
0x49: {  	s0 =	sadd.s32 @!p0 $0x100000, s1;
	[bflag:$0x2] =	sbarrier.arrive $0xFFFF  }
0x4a: {  	[sflag:s0] =	ssyncadd.tile.s32 @!p0 $0x1;
	_ =	shalt  }
.Lfunc_end2:
_tile_overlayer_lowered:
.L_overlay_start_2:
0x4b: {  	(tag) =	ssettag $0x2  }
0x4c: {  	s0 =	rddreg [dreg:$0x0];
	s2 =	stileid.u32  }
0x4d: {  	s1 =	rddreg [dreg:$0x1];
	p0 =	sne.s32 s2, $0x0  }
0x4e: {  	s3 =	rddreg [dreg:$0x2];
	[bflag:$0x3] =	sbarrier.arrive $0xFFFF;
	s2 =	simm.s32 @!p0 $0x1C03  }
0x4f: {  	[timem:s3], [sflag:s2] =	dma.local @!p0 [hbm:s0], s1  }
0x50: {  	s0 =	simm.s32 @!p0 $0x3  }
0x51: {  	_ =	swait.ge @!p0 [sflag:s0], s1  }
0x52: {  	s1 =	ssub.s32 @!p0 $0x0, s1;
	[sflag:s0] =	ssyncset.done @!p0 $0x0  }
0x53: {  	[sflag:s0] =	ssyncadd.s32 @!p0 s1  }
0x54: {  	[bflag:$0x3] =	sbarrier.arrive $0xFFFF  }
0x55: {  	_ =	shalt  }

// kernel: sparse-core-data-format-call.cloned.1.call-start
scs
called_computation_lowered:
.L_overlay_start_0:
0x0: {  	s2 =	sld [smem:$0x3FD9]  }
0x1: {  	s3 =	sld [smem:$0x3FFE];
	_ =	sdelay $0x1  }
0x2: {  	s1 =	srdreg.scid  }
0x3: {  	s0 =	sand.u32 $0x1, s1  }
0x4: {  	s18 =	sshll.u32 s0, $0xA;
	s2 =	sadd.s32 s3, s2  }
0x5: {  	s2 =	sadd.s32 s2, s18  }
0x6: {  	[smem:$0x3FB8] =	sst s2  }
0x7: {  	_ = 	snop  }
0x8: {  	s2 =	sld [smem:$0x3FD0];
	(tm) =	ssettm $0x1  }
0x9: {  	s19 =	sld [smem:$0x3FFB];
	_ =	sdelay $0x3  }
0xa: {  	_ =	strace s19  }
0xb: {  	s3 =	sld [smem:$0x3FFC];
	_ =	sdelay $0x3  }
0xc: {  	_ =	strace s3  }
0xd: {  	s3 =	sld [smem:$0x3FFD];
	_ =	sdelay $0x3  }
0xe: {  	_ =	strace s3  }
0xf: {  	_ =	strace $0x8FFFFFFF  }
0x10: {  	s20 =	sld [smem:$0x3FDB];
	_ =	sdelay $0x1  }
0x11: {  	s4 =	simm.s32 $_scs_section_size  }
0x12: {  	s5 =	simm.s32 $_size__tile_overlayer_lowered;
	s6 =	simm.s32 $_tile_overlayer_lowered  }
0x13: {  	s23 =	simm.s32 $0x1BFF;
	s22 =	sshll.u32 s6, $0x1;
	s3 =	sadd.s32 s4, s20  }
0x14: {  	s7 =	simm.s32 $0x0;
	s21 =	sshll.u32 s5, $0x1;
	s5 =	sadd.s32 s22, s3  }
0x15: {  	[timem:s7], [sflag:s23] =	dma.local [hbm:s5], s21  }
0x16: {  	_ =	swait.ge [sflag:s23], s21  }
0x17: {  	s4 =	ssub.s32 $0x0, s21;
	[sflag:s23] =	ssyncset.done $0x0  }
0x18: {  	[sflag:s23] =	ssyncadd.s32 s4;
	_ =	sdelay $0x1  }
0x19: {  	s24 =	simm.s32 $0x1B8B  }
0x1a: {  	_ =	swait.ge [sflag:s24], $0x1  }
0x1b: {  	[sflag:s24] =	ssyncset.done $0x0  }
0x1c: {  	s26 =	simm.s32 $0x1B8E;
	s25 =	sld [smem:$0x3FFE];
	[sflag:s24] =	ssyncadd.s32 $0xFFFFFFFF  }
0x1d: {  	s27 =	simm.s32 $execute0_lowered;
	[smem:$0x3FD2] =	sst s26  }
0x1e: {  	s5 =	sshll.u32 s27, $0x1;
	_ =	strace $0x8000004C;
	[dreg:$0x1] =	wrdreg $0xFFFFFFFF  }
0x1f: {  	s28 =	simm.s32 $_size_execute0_lowered;
	s3 =	sadd.s32 s3, s5;
	[dreg:$0x0] =	wrdreg $0x0  }
0x20: {  	s5 =	sshll.u32 s28, $0x1;
	[dreg:$0x2] =	wrdreg s3  }
0x21: {  	[dreg:$0x3] =	wrdreg s5  }
0x22: {  	[dreg:$0x4] =	wrdreg $0xC0  }
0x23: {  	_ =	task [dreg:s7], $0x5FFFF  }
0x24: {  	[dreg:$0x1] =	wrdreg $0xFFFFFFFF  }
0x25: {  	[dreg:$0x0] =	wrdreg $0x60  }
0x26: {  	[dreg:$0x2] =	wrdreg s25  }
0x27: {  	[dreg:$0x3] =	wrdreg s2  }
0x28: {  	[dreg:$0x4] =	wrdreg $0x9  }
0x29: {  	_ =	task.clear_ibuf [dreg:s7], $0x5FFFF;
	_ =	strace $0x9000004C  }
0x2a: {  	s29 =	simm.s32 $0x9;
	_ =	strace $0x8000004E  }
0x2b: {  	_ =	swait.ge [sflag:s29], $0x1  }
0x2c: {  	[sflag:s29] =	ssyncadd.s32 $0xFFFFFFFF  }
0x2d: {  	_ =	strace $0x9000004E  }
0x2e: {  	_ =	sfence  }
0x2f: {  	s30 =	sld [smem:$0x0];
	_ =	sdelay $0x2  }
0x30: {  	s31 =	sshll.u32 s1, $0xD;
	s1 =	sshrl.u32 s1, $0x2  }
0x31: {  	s3 =	sand.u32 $0x4000, s31;
	s1 =	sadd.s32 s1, s30  }
0x32: {  	s0 =	sor.u32 s3, s0;
	s1 =	sshll.u32 s1, $0x11  }
0x33: {  	s0 =	sor.u32 s1, s0  }
0x34: {  	s0 =	sadd.s32 $0x8F2B, s0  }
0x35: {  	[sflag:s0] =	ssyncadd.remote.s32 $0x1  }
0x36: {  	_ =	sfence.sel $0xFFFF  }
0x37: {  	[dreg:$0x0] =	wrdreg $0xFFFFFFFF;
	(pc) =	sbr.abs _section_cstart, $3  }
0x38: {  	[dreg:$0x1] =	wrdreg $0xFFFFFFFF  }
0x39: {  	_ =	task.clear_ibuf [dreg:s7], $0x2FFFF;
	_ =	strace $0x9FFFFFFF  }
0x3a: {  	(tm) =	ssettm $0x7FFFFFFF  }
0x3b: {  	_ =	shalt  }
tec
execute0_lowered:
.L_overlay_start_1:
0x0: {  	(tag) =	ssettag $0x1  }
0x1: {  	s0 =	stileid.u32;
	s6 =	rddreg [dreg:$0x0]  }
0x2: {  	s2 =	rddreg [dreg:$0x1];
	s5 =	srdreg.scid  }
0x3: {  	s31 =	simm.s32 $0x2;
	s13 =	simm.s32 $0x0;
	s1 =	sshll.u32 s0, $0x7  }
0x4: {  	s14 =	simm.s32 $0x0;
	s12 =	simm.s32 $0x0;
	s3 =	sand.u32 $0x380, s1  }
0x5: {  	s5 =	sshll.u32 s5, $0x4;
	s6 =	sadd.s32 $0x2E00, s6;
	s4 =	ssub.s32 $0x400, s3  }
0x6: {  	s1 =	rddreg [dreg:$0x2];
	_ =	strace $0x8000004D;
	s7 =	sand.u32 $0x380, s4  }
0x7: {  	s5 =	sand.u32 $0x10, s5;
	p0 =	sne.s32 s7, $0x0;
	s7 =	simm.s32 $0x1  }
.Ltmp0:
0x8: {  	s8 =	sshrl.u32 s4, $0xA;
	s7 =	simm.s32 @!p0 $0x0;
	(pc) =	sbr.rel .LBB1_1-.Ltmp0, $4  }
0x9: {  	s9 =	sor.u32 s0, s5;
	s4 =	simm.s32 $0x1;
	s30 =	sadd.s32 s7, s8  }
0xa: {  	s11 =	smov.u32 s3;
	[sflag:s4] =	ssyncpa.u1 $0x0;
	s5 =	smul.u32 $0x32, s30  }
0xb: {  	[sflag:s31] =	ssyncpa.u1 $0x0;
	p0 =	por $0x0, $0x0;
	s7 =	sshrl.u32 s9, $0x3  }
0xc: {  	s9 =	simm.s32 $0x2000;
	s10 =	smov.u32 s7;
	s8 =	sor.u32 $0x1, s5  }
.LBB1_4:
0xd: {  	s17 =	sand.u32 $0x1F80, s14;
	s13 =	sshll.u32 s13, $0xD  }
0xe: {  	[tilespmem:s16+$0x810 ss:$0x81] =	vst.msk $0xffff, v2;
	s18 =	sshrl.u32 s14, $0x3;
	s31 =	sand.u32 $0x7, s14;
	s17 =	sadd.s32 s2, s17  }
0xf: {  	[tilespmem:s16+$0x1020 ss:$0x81] =	vst.msk $0xffff, v0;
	s18 =	sand.u32 $0xF, s18;
	s14 =	sshll.u32 s31, $0x12;
	s13 =	sadd.s32 s13, s17  }
0x10: {  	[tilespmem:s16+$0x0 ss:$0x81] =	vst.msk $0xffff, v1;
	s14 =	sor.u32 $0x400, s14;
	s13 =	sadd.s32 s18, s13  }
0x11: {  	[hbm4b:s13+s14] =	stream.strided.scatter [tilespmem:s15], [sflag:$0x2], $0x2000, s9, s14, $0x20;
	[tilespmem:$0x8080] =	vst v63  }
.LBB1_5:
0x12: {  	s15 =	sadd.s32 $0x4, s10  }
0x13: {  	s13 =	sadd.s32 $0x400, s11;
	s17 =	smov.u32 s11;
	p2 =	sgt.s32 s15, $0xC7  }
0x14: {  	s17 =	smov.u32 @p2 s13  }
0x15: {  	s15 =	smov.u32 @p2 s7;
	p2 =	sgt.s32 s17, $0x3FF  }
0x16: {  	s17 =	smov.u32 @p2 s3;
	p2 =	sne.s32 s12, s8  }
.Ltmp1:
0x17: {  	p1 =	slt.u32 s12, $0x2;
	(pc) =	sbr.rel @!p2 .LBB1_6-.Ltmp1, $4  }
0x18: {  	s16 =	simm.s32 @!p1 $0x2  }
0x19: {  	s14 =	smov.u32 s11;
	p0 =	por !p0, !p0;
	_ =	swait.ge @!p1 [sflag:s16], $0x2000  }
0x1a: {  	s13 =	smov.u32 s10;
	[sflag:s16] =	ssyncset.done @!p1 $0x0;
	s10 =	smov.u32 s15  }
0x1b: {  	s12 =	sadd.s32 $0x1, s12;
	[sflag:s16] =	ssyncadd.s32 @!p1 $0xFFFFE000;
	s11 =	smov.u32 s17  }
.LBB1_1:
0x1c: {  	p1 =	sge.u32 s12, s5  }
0x1d: {  	s15 =	sand.u32 @!p1 $0x1FFFFFF, s10  }
0x1e: {  	s16 =	smulhi.u32 @!p1 $0x147AE15, s15;
	_ =	sdelay $0x1  }
0x1f: {  	s16 =	smul.u32 @!p1 $0xC8, s16  }
0x20: {  	s17 =	sxor.u32 @!p1 $0xFFFFFFFF, s12;
	s18 =	smul.u32 @!p1 $0xC80, s11  }
0x21: {  	s31 =	sadd.s32 $0xFFFFFFFF, s12;
	s17 =	sshll.u32 @!p1 s17, $0xD;
	s15 =	ssub.s32 @!p1 s15, s16  }
0x22: {  	s16 =	sand.u32 @!p1 $0x2000, s17;
	s17 =	sadd.s32 @!p1 s6, s18;
	s15 =	sshll.u32 @!p1 s15, $0x4  }
0x23: {  	s18 =	simm.s32 @!p1 $0x6400;
	s15 =	sadd.s32 @!p1 s15, s17;
	s17 =	simm.s32 @!p1 $0x40  }
0x24: {  	[tilespmem:s16], [sflag:$0x1] =	stream.strided.gather @!p1 [hbm4b:s15+s17], $0x2000, s18, s17, $0x38;
	[tilespmem:$0x8080] =	vst v63  }
0x25: {  	p1 =	sge.u32 s31, s5  }
.Ltmp2:
0x26: {  	_ = 	snop;
	(pc) =	sbr.rel @p1 .LBB1_5-.Ltmp2, $1  }
0x27: {  	_ =	sdelay $0x3  }
0x28: {  	s15 =	simm.s32 $0x1  }
0x29: {  	_ =	swait.ge [sflag:s4], $0x2000;
	s15 =	simm.s32 @!p0 $0x0  }
0x2a: {  	[sflag:s4] =	ssyncset.done $0x0;
	s16 =	sshll.u32 s15, $0xD  }
0x2b: {  	[sflag:s4] =	ssyncadd.s32 $0xFFFFE000;
	s19 =	sor.u32 $0x20, s16  }
0x2c: {  	s15 =	smul.u32 $0x8100, s15;
	v3 =	vld [tilespmem:s19+$0x10]  }
0x2d: {  	s30 =	sand.u32 $0x1, s12;
	v2 =	vld [tilespmem:s19+$0xFFFFFFF0]  }
0x2e: {  	s16 =	smul.u32 $0x8100, s30;
	s15 =	sshrl.u32 s15, $0x2;
	v0 =	vld [tilespmem:s19+$0x0]  }
0x2f: {  	v1 =	vld [tilespmem:s19+$0xFFFFFFE0];
	s17 =	sor.u32 $0x4000, s15  }
0x30: {  	s31 =	sshrl.u32 s16, $0x2;
	s16 =	sadd.s32 $0x0, s17  }
0x31: {  	s18 =	simm.s32 $0x4;
	s19 =	sadd.s32 $0x40, s19;
	s15 =	sor.u32 $0x4000, s31;
	[tilespmem:s16+$0x1830 ss:$0x81] =	vst.msk $0xffff, v3  }
.LBB1_3:
0x32: {  	v3 =	vld [tilespmem:s19+$0x10];
	p1 =	sne.s32 s18, $0x1FC;
	[tilespmem:s16+$0x810 ss:$0x81] =	vst.msk $0xffff, v2;
	s20 =	smov.u32 s18;
	s18 =	sadd.s32 $0x4, s18  }
.Ltmp3:
0x33: {  	v2 =	vld [tilespmem:s19+$0xFFFFFFF0];
	[tilespmem:s16+$0x1020 ss:$0x81] =	vst.msk $0xffff, v0;
	(pc) =	sbr.rel @p1 .LBB1_3-.Ltmp3, $4  }
0x34: {  	v0 =	vld [tilespmem:s19+$0x0];
	[tilespmem:s16+$0x0 ss:$0x81] =	vst.msk $0xffff, v1  }
0x35: {  	s16 =	sshra.s32 s20, $0x2;
	v1 =	vld [tilespmem:s19+$0xFFFFFFE0]  }
0x36: {  	s16 =	sadd.s32 s16, s17  }
0x37: {  	s19 =	sadd.s32 $0x40, s19;
	[tilespmem:s16+$0x1830 ss:$0x81] =	vst.msk $0xffff, v3  }
.Ltmp4:
0x38: {  	_ = 	snop;
	(pc) =	sbr.rel .LBB1_4-.Ltmp4, $1  }
0x39: {  	_ =	sdelay $0x3  }
.LBB1_6:
0x3a: {  	_ =	sfence.sel $0x180000  }
0x3b: {  	s2 =	simm.s32 $0x1;
	[bflag:$0x0] =	sbarrier.arrive $0xFFFF  }
0x3c: {  	s31 =	simm.s32 $0x2;
	[sflag:s2] =	ssyncpa.u1 $0x1  }
0x3d: {  	[sflag:s31] =	ssyncpa.u1 $0x1  }
0x3e: {  	p0 =	sne.s32 s0, $0x0;
	_ =	strace $0x9000004D  }
0x3f: {  	s0 =	sadd.s32 @!p0 $0x100000, s1;
	[bflag:$0x2] =	sbarrier.arrive $0xFFFF  }
0x40: {  	[sflag:s0] =	ssyncadd.tile.s32 @!p0 $0x1;
	_ =	shalt  }
.Lfunc_end1:
_tile_overlayer_lowered:
.L_overlay_start_2:
0x41: {  	(tag) =	ssettag $0x2  }
0x42: {  	s0 =	rddreg [dreg:$0x0];
	s2 =	stileid.u32  }
0x43: {  	s1 =	rddreg [dreg:$0x1];
	p0 =	sne.s32 s2, $0x0  }
0x44: {  	s3 =	rddreg [dreg:$0x2];
	[bflag:$0x3] =	sbarrier.arrive $0xFFFF;
	s2 =	simm.s32 @!p0 $0x1C01  }
0x45: {  	[timem:s3], [sflag:s2] =	dma.local @!p0 [hbm:s0], s1  }
0x46: {  	s0 =	simm.s32 @!p0 $0x1  }
0x47: {  	_ =	swait.ge @!p0 [sflag:s0], s1  }
0x48: {  	s1 =	ssub.s32 @!p0 $0x0, s1;
	[sflag:s0] =	ssyncset.done @!p0 $0x0  }
0x49: {  	[sflag:s0] =	ssyncadd.s32 @!p0 s1  }
0x4a: {  	[bflag:$0x3] =	sbarrier.arrive $0xFFFF  }
0x4b: {  	_ =	shalt  }

</sc_bundles>
